<compile_context>
chip_gen: v7x
topology: tpu7x:2x2x1
jax: 0.10.2.dev20260603
libtpu: 0.0.44.dev20260713+nightly
codegen_flags: <defaults>
</compile_context>

<pallas_src>
import functools

import jax
import jax.numpy as jnp
from jax import lax
from jax.experimental import pallas as pl
from jax.experimental.pallas import tpu as pltpu
from jax.experimental.pallas import tpu_sc as plsc

D_MODEL = 4096
N_EXP = 4
TOK_TILE = 512
SC_WORKERS = 32
SC_LANES = 16


def _moe_body(x_ref, wt5_ref, b_ref, g_ref, rv_ref, o_ref):
    xb = x_ref[...]
    r = jnp.dot(xb, wt5_ref[...], preferred_element_type=jnp.float32)
    logits = r[:, :N_EXP]
    s = r[:, N_EXP]
    z = (logits + b_ref[...]) + g_ref[...]
    idx = jnp.argmax(z, axis=-1)

    nzm = (xb != 0.0).astype(jnp.bfloat16)
    cmpm = (xb != jnp.roll(xb, 1, axis=1)).astype(jnp.bfloat16)
    nz = jnp.dot(nzm, rv_ref[:, :1],
                 preferred_element_type=jnp.float32)[:, 0]
    wdp = jnp.dot(cmpm, rv_ref[:, 1:],
                  preferred_element_type=jnp.float32)
    wd = wdp[:, 0] + wdp[:, 1]

    o_ref[0, :] = s
    o_ref[1, :] = (s / (s + 1e-6)) / jnp.float32(D_MODEL)
    o_ref[2, :] = nz
    o_ref[3, :] = wd / jnp.float32(D_MODEL)
    o_ref[4, :] = idx.astype(jnp.float32)
    o_ref[5, :] = s
    o_ref[6, :] = s
    o_ref[7, :] = s


def _run(x2, W, b, g, rv):
    n_tok, D = x2.shape
    wt5 = jnp.concatenate([W.T, jnp.ones((D, 1), jnp.float32)], axis=1)
    b2 = b.reshape(1, N_EXP)
    ev = pl.pallas_call(
        _moe_body,
        grid=(n_tok // TOK_TILE,),
        in_specs=[
            pl.BlockSpec((TOK_TILE, D), lambda i: (i, 0)),
            pl.BlockSpec((D, N_EXP + 1), lambda i: (0, 0)),
            pl.BlockSpec((1, N_EXP), lambda i: (0, 0)),
            pl.BlockSpec((TOK_TILE, N_EXP), lambda i: (i, 0)),
            pl.BlockSpec((D, 3), lambda i: (0, 0)),
        ],
        out_specs=pl.BlockSpec((8, TOK_TILE), lambda i: (0, i)),
        out_shape=jax.ShapeDtypeStruct((8, n_tok), jnp.float32),
        compiler_params=pltpu.CompilerParams(
            dimension_semantics=("parallel",)),
    )(x2, wt5, b2, g, rv)
    return _route_sc(ev)


def _route_sc(ev):
    n_tok = ev.shape[1]
    per = n_tok // SC_WORKERS
    mesh = plsc.VectorSubcoreMesh(core_axis_name="c", subcore_axis_name="s")

    @functools.partial(
        pl.kernel, mesh=mesh,
        out_type=jax.ShapeDtypeStruct((n_tok,), jnp.float32),
        scratch_types=[
            pltpu.VMEM((5, per), jnp.float32),
            pltpu.VMEM((per,), jnp.float32),
        ],
    )
    def k(ev_hbm, out_hbm, ev_v, out_v):
        wid = lax.axis_index("s") * 2 + lax.axis_index("c")
        base = wid * per
        pltpu.sync_copy(ev_hbm.at[pl.ds(0, 5), pl.ds(base, per)], ev_v)

        for j in range(per // SC_LANES):
            sl = pl.ds(j * SC_LANES, SC_LANES)
            idxf = ev_v[4, sl]
            out = ev_v[0, sl]
            for r in range(1, N_EXP):
                out = jnp.where(idxf == jnp.float32(r), ev_v[r, sl], out)
            out_v[sl] = out

        pltpu.sync_copy(out_v, out_hbm.at[pl.ds(base, per)])

    return k(ev)


_run_jit = jax.jit(_run)
_consts = {}


def _get_consts(B, S, D):
    key = (B, S, D)
    if key not in _consts:
        g = jax.random.gumbel(
            jax.random.key(42), (B, S, N_EXP), dtype=jnp.float32
        ).reshape(B * S, N_EXP)
        i = jnp.arange(D, dtype=jnp.float32)
        w = jnp.where(i == 0, 0.0, jnp.float32(D) - i)
        w_hi = w.astype(jnp.bfloat16).astype(jnp.float32)
        w_lo = w - w_hi
        rv = jnp.stack([jnp.ones((D,), jnp.float32), w_hi, w_lo], axis=1)
        _consts[key] = (g, rv.astype(jnp.bfloat16))
    return _consts[key]


def kernel(x, W, b):
    B, S, D = x.shape
    g, rv = _get_consts(B, S, D)
    out = _run_jit(x.reshape(B * S, D), W, b, g, rv)
    return out.reshape(B, S, 1)

# --- scband reference (transcript-rebuilt; emitter-appended) ---
"""Pipeline reference for scband-sparse-expert-counting-network-1125281431619 (READ-ONLY COPY).

The authoritative reference and input builder live on the scoring server;
editing this copy changes nothing except your own understanding.
"""

import jax, jax.numpy as jnp
import numpy as np

D_MODEL = 4096
N_EXPERTS = 4

def setup_inputs(seed: int = 0):
    key = jax.random.key(seed)
    k1, k2, k3 = jax.random.split(key, 3)
    x = jax.random.uniform(k1, (2, 4096, D_MODEL), dtype=jnp.float32)
    lim = 1.0 / np.sqrt(D_MODEL)
    W = jax.random.uniform(k2, (N_EXPERTS, D_MODEL), dtype=jnp.float32, minval=-lim, maxval=lim)
    b = jax.random.uniform(k3, (N_EXPERTS,), dtype=jnp.float32, minval=-lim, maxval=lim)
    return {"x": x, "W": W, "b": b}

def _expert_outputs(x):
    # x: [B, S, D]. Each expert is a per-token (per-row) op over the feature dim,
    # so computing on the full tensor then masking is equivalent to torch's x[m].
    # HistogramExpert: sum over features -> [B, S, 1]
    e0 = x.sum(-1, keepdims=True)
    # FrequencyExpert: x / (sum + 1e-6) -> [B, S, D]; module then means to [B, S, 1]
    freq = x / (x.sum(-1, keepdims=True) + 1e-6)
    e1 = freq.mean(-1, keepdims=True)
    # UniquenessExpert: count nonzero -> [B, S, 1]
    e2 = (x != 0).astype(jnp.float32).sum(-1, keepdims=True)
    # PatternCountExpert: on 2D x[m], dim 1 is the feature dim; padded diff + cumsum,
    # then module means to [B, S, 1] because shape[-1] != 1.
    diff = (x[..., 1:] != x[..., :-1]).astype(jnp.float32)
    pad = jnp.zeros_like(diff[..., :1])
    patt = jnp.concatenate([pad, diff], axis=-1).cumsum(axis=-1)
    e3 = patt.mean(-1, keepdims=True)
    return [e0, e1, e2, e3]

def reference(x, W, b):
    # router
    logits = jnp.einsum('bsd,ed->bse', x, W) + b  # [B, S, 4]
    # gumbel_softmax(hard=True, tau=1): hard one-hot at argmax of (logits + gumbel)
    g = jax.random.gumbel(jax.random.key(42), logits.shape, dtype=logits.dtype)
    y_soft = jax.nn.softmax(logits + g, axis=-1)
    idx = jnp.argmax(y_soft, axis=-1)  # [B, S]
    routes = jax.nn.one_hot(idx, N_EXPERTS, dtype=x.dtype)
    outs = _expert_outputs(x)
    out = jnp.zeros_like(x[..., :1])
    for i in range(N_EXPERTS):
        m = routes[..., i] > 0
        out = jnp.where(m[..., None], outs[i], out)
    return out

if False:  # reference __main__ guard neutralized (emitter)
    inp = setup_inputs()
    o = reference(**inp)
    print(o.shape)

if __name__ == "__main__":
    import jax
    _d = setup_inputs()
    print(jax.jit(kernel)(*tuple(_d.values())))

</pallas_src>

<mosaic_0001>
#map = affine_map<(d0, d1) -> (0, 0)>
#map1 = affine_map<(d0, d1) -> (0)>
module attributes {stable_mosaic.version = 14 : i64} {
  func.func @k(%arg0: i32, %arg1: i32, %arg2: memref<8x8192xf32, #tpu.memory_space<hbm>>, %arg3: memref<8192xf32, #tpu.memory_space<hbm>>, %arg4: memref<5x256xf32, #tpu.memory_space<vmem>>, %arg5: memref<256xf32, #tpu.memory_space<vmem>>) attributes {dimension_semantics = [#tpu.dimension_semantics<core_parallel>, #tpu.dimension_semantics<subcore_parallel>], iteration_bounds = array<i64: 2, 16>, scalar_prefetch = 0 : i64, scratch_operands = 2 : i64, tpu.core_type = #tpu.core_type<sc_vector_subcore>, window_params = [{transform_indices = #map}, {transform_indices = #map1}]} {
    %mul3A = arith.constant 2 : i32
    %mul3A_0 = arith.muli %arg1, %mul3A : i32
    %add3A = arith.addi %mul3A_0, %arg0 : i32
    %mul3A_1 = arith.constant 256 : i32
    %mul3A_2 = arith.muli %add3A, %mul3A_1 : i32
    "tpu.region"() ({
      %run_scoped3A = tpu.sem_alloc : memref<!tpu.dma_semaphore, #tpu.memory_space<semaphore_mem>>
      %dma_start3A = arith.constant 0 : i32
      %dma_start3A_655 = tpu.memref_slice %arg2[%dma_start3A, %mul3A_2] : memref<8x8192xf32, #tpu.memory_space<hbm>> -> memref<5x256xf32, #tpu.memory_space<hbm>>
      %dma_start3A_656 = arith.constant 0 : i32
      %dma_start3A_657 = tpu.memref_slice %arg2[%dma_start3A_656, %mul3A_2] : memref<8x8192xf32, #tpu.memory_space<hbm>> -> memref<5x256xf32, #tpu.memory_space<hbm>>
      tpu.enqueue_dma source(%dma_start3A_657 : memref<5x256xf32, #tpu.memory_space<hbm>>) target(%arg4 : memref<5x256xf32, #tpu.memory_space<vmem>>) target_semaphore(%run_scoped3A : memref<!tpu.dma_semaphore, #tpu.memory_space<semaphore_mem>>)
      %dma_wait3A = arith.constant 0 : i32
      %dma_wait3A_658 = tpu.memref_slice %arg2[%dma_wait3A, %mul3A_2] : memref<8x8192xf32, #tpu.memory_space<hbm>> -> memref<5x256xf32, #tpu.memory_space<hbm>>
      %dma_wait3A_659 = arith.constant 0 : i32
      %dma_wait3A_660 = tpu.memref_slice %arg2[%dma_wait3A_659, %mul3A_2] : memref<8x8192xf32, #tpu.memory_space<hbm>> -> memref<5x256xf32, #tpu.memory_space<hbm>>
      tpu.wait_dma2 semaphore(%run_scoped3A : memref<!tpu.dma_semaphore, #tpu.memory_space<semaphore_mem>>) src(%dma_wait3A_660 : memref<5x256xf32, #tpu.memory_space<hbm>>) dst(%arg4 : memref<5x256xf32, #tpu.memory_space<vmem>>)
      tpu.yield
    }) : () -> ()
    %get3A = arith.constant 4 : i32
    %get3A_3 = arith.index_cast %get3A : i32 to index
    %get3A_4 = arith.constant 0 : index
    %get3A_5 = tpu.vector_load %arg4[%get3A_3, %get3A_4] {strides = array<i32>} : memref<5x256xf32, #tpu.memory_space<vmem>>, vector<1x16xf32>,
    %get3A_6 = vector.shape_cast %get3A_5 : vector<1x16xf32> to vector<16xf32>
    %get3A_7 = arith.constant 0 : i32
    %get3A_8 = arith.index_cast %get3A_7 : i32 to index
    %get3A_9 = arith.constant 0 : index
    %get3A_10 = tpu.vector_load %arg4[%get3A_8, %get3A_9] {strides = array<i32>} : memref<5x256xf32, #tpu.memory_space<vmem>>, vector<1x16xf32>,
    %get3A_11 = vector.shape_cast %get3A_10 : vector<1x16xf32> to vector<16xf32>
    %eq3A = arith.constant 1.000000e+00 : f32
    %eq3A_12 = vector.broadcast %eq3A : f32 to vector<16xf32>
    %eq3A_13 = arith.cmpf oeq, %get3A_6, %eq3A_12 : vector<16xf32>
    %get3A_14 = arith.constant 1 : i32
    %get3A_15 = arith.index_cast %get3A_14 : i32 to index
    %get3A_16 = arith.constant 0 : index
    %get3A_17 = tpu.vector_load %arg4[%get3A_15, %get3A_16] {strides = array<i32>} : memref<5x256xf32, #tpu.memory_space<vmem>>, vector<1x16xf32>,
    %get3A_18 = vector.shape_cast %get3A_17 : vector<1x16xf32> to vector<16xf32>
    %select_n3A = arith.select %eq3A_13, %get3A_18, %get3A_11 : vector<16xi1>, vector<16xf32>
    %eq3A_19 = arith.constant 2.000000e+00 : f32
    %eq3A_20 = vector.broadcast %eq3A_19 : f32 to vector<16xf32>
    %eq3A_21 = arith.cmpf oeq, %get3A_6, %eq3A_20 : vector<16xf32>
    %get3A_22 = arith.constant 2 : i32
    %get3A_23 = arith.index_cast %get3A_22 : i32 to index
    %get3A_24 = arith.constant 0 : index
    %get3A_25 = tpu.vector_load %arg4[%get3A_23, %get3A_24] {strides = array<i32>} : memref<5x256xf32, #tpu.memory_space<vmem>>, vector<1x16xf32>,
    %get3A_26 = vector.shape_cast %get3A_25 : vector<1x16xf32> to vector<16xf32>
    %select_n3A_27 = arith.select %eq3A_21, %get3A_26, %select_n3A : vector<16xi1>, vector<16xf32>
    %eq3A_28 = arith.constant 3.000000e+00 : f32
    %eq3A_29 = vector.broadcast %eq3A_28 : f32 to vector<16xf32>
    %eq3A_30 = arith.cmpf oeq, %get3A_6, %eq3A_29 : vector<16xf32>
    %get3A_31 = arith.constant 3 : i32
    %get3A_32 = arith.index_cast %get3A_31 : i32 to index
    %get3A_33 = arith.constant 0 : index
    %get3A_34 = tpu.vector_load %arg4[%get3A_32, %get3A_33] {strides = array<i32>} : memref<5x256xf32, #tpu.memory_space<vmem>>, vector<1x16xf32>,
    %get3A_35 = vector.shape_cast %get3A_34 : vector<1x16xf32> to vector<16xf32>
    %select_n3A_36 = arith.select %eq3A_30, %get3A_35, %select_n3A_27 : vector<16xi1>, vector<16xf32>
    %swap3A = arith.constant 0 : index
    %swap3A_37 = tpu.vector_load %arg5[%swap3A] {strides = array<i32>} : memref<256xf32, #tpu.memory_space<vmem>>, vector<16xf32>,
    %swap3A_38 = vector.shape_cast %swap3A_37 : vector<16xf32> to vector<16xf32>
    %swap3A_39 = vector.shape_cast %select_n3A_36 : vector<16xf32> to vector<16xf32>
    tpu.vector_store %arg5[%swap3A], %swap3A_39 {strides = array<i32>} : memref<256xf32, #tpu.memory_space<vmem>>, vector<16xf32>,
    %get3A_40 = arith.constant 4 : i32
    %get3A_41 = arith.index_cast %get3A_40 : i32 to index
    %get3A_42 = arith.constant 16 : index
    %get3A_43 = tpu.vector_load %arg4[%get3A_41, %get3A_42] {strides = array<i32>} : memref<5x256xf32, #tpu.memory_space<vmem>>, vector<1x16xf32>,
    %get3A_44 = vector.shape_cast %get3A_43 : vector<1x16xf32> to vector<16xf32>
    %get3A_45 = arith.constant 0 : i32
    %get3A_46 = arith.index_cast %get3A_45 : i32 to index
    %get3A_47 = arith.constant 16 : index
    %get3A_48 = tpu.vector_load %arg4[%get3A_46, %get3A_47] {strides = array<i32>} : memref<5x256xf32, #tpu.memory_space<vmem>>, vector<1x16xf32>,
    %get3A_49 = vector.shape_cast %get3A_48 : vector<1x16xf32> to vector<16xf32>
    %eq3A_50 = arith.constant 1.000000e+00 : f32
    %eq3A_51 = vector.broadcast %eq3A_50 : f32 to vector<16xf32>
    %eq3A_52 = arith.cmpf oeq, %get3A_44, %eq3A_51 : vector<16xf32>
    %get3A_53 = arith.constant 1 : i32
    %get3A_54 = arith.index_cast %get3A_53 : i32 to index
    %get3A_55 = arith.constant 16 : index
    %get3A_56 = tpu.vector_load %arg4[%get3A_54, %get3A_55] {strides = array<i32>} : memref<5x256xf32, #tpu.memory_space<vmem>>, vector<1x16xf32>,
    %get3A_57 = vector.shape_cast %get3A_56 : vector<1x16xf32> to vector<16xf32>
    %select_n3A_58 = arith.select %eq3A_52, %get3A_57, %get3A_49 : vector<16xi1>, vector<16xf32>
    %eq3A_59 = arith.constant 2.000000e+00 : f32
    %eq3A_60 = vector.broadcast %eq3A_59 : f32 to vector<16xf32>
    %eq3A_61 = arith.cmpf oeq, %get3A_44, %eq3A_60 : vector<16xf32>
    %get3A_62 = arith.constant 2 : i32
    %get3A_63 = arith.index_cast %get3A_62 : i32 to index
    %get3A_64 = arith.constant 16 : index
    %get3A_65 = tpu.vector_load %arg4[%get3A_63, %get3A_64] {strides = array<i32>} : memref<5x256xf32, #tpu.memory_space<vmem>>, vector<1x16xf32>,
    %get3A_66 = vector.shape_cast %get3A_65 : vector<1x16xf32> to vector<16xf32>
    %select_n3A_67 = arith.select %eq3A_61, %get3A_66, %select_n3A_58 : vector<16xi1>, vector<16xf32>
    %eq3A_68 = arith.constant 3.000000e+00 : f32
    %eq3A_69 = vector.broadcast %eq3A_68 : f32 to vector<16xf32>
    %eq3A_70 = arith.cmpf oeq, %get3A_44, %eq3A_69 : vector<16xf32>
    %get3A_71 = arith.constant 3 : i32
    %get3A_72 = arith.index_cast %get3A_71 : i32 to index
    %get3A_73 = arith.constant 16 : index
    %get3A_74 = tpu.vector_load %arg4[%get3A_72, %get3A_73] {strides = array<i32>} : memref<5x256xf32, #tpu.memory_space<vmem>>, vector<1x16xf32>,
    %get3A_75 = vector.shape_cast %get3A_74 : vector<1x16xf32> to vector<16xf32>
    %select_n3A_76 = arith.select %eq3A_70, %get3A_75, %select_n3A_67 : vector<16xi1>, vector<16xf32>
    %swap3A_77 = arith.constant 16 : index
    %swap3A_78 = tpu.vector_load %arg5[%swap3A_77] {strides = array<i32>} : memref<256xf32, #tpu.memory_space<vmem>>, vector<16xf32>,
    %swap3A_79 = vector.shape_cast %swap3A_78 : vector<16xf32> to vector<16xf32>
    %swap3A_80 = vector.shape_cast %select_n3A_76 : vector<16xf32> to vector<16xf32>
    tpu.vector_store %arg5[%swap3A_77], %swap3A_80 {strides = array<i32>} : memref<256xf32, #tpu.memory_space<vmem>>, vector<16xf32>,
    %get3A_81 = arith.constant 4 : i32
    %get3A_82 = arith.index_cast %get3A_81 : i32 to index
    %get3A_83 = arith.constant 32 : index
    %get3A_84 = tpu.vector_load %arg4[%get3A_82, %get3A_83] {strides = array<i32>} : memref<5x256xf32, #tpu.memory_space<vmem>>, vector<1x16xf32>,
    %get3A_85 = vector.shape_cast %get3A_84 : vector<1x16xf32> to vector<16xf32>
    %get3A_86 = arith.constant 0 : i32
    %get3A_87 = arith.index_cast %get3A_86 : i32 to index
    %get3A_88 = arith.constant 32 : index
    %get3A_89 = tpu.vector_load %arg4[%get3A_87, %get3A_88] {strides = array<i32>} : memref<5x256xf32, #tpu.memory_space<vmem>>, vector<1x16xf32>,
    %get3A_90 = vector.shape_cast %get3A_89 : vector<1x16xf32> to vector<16xf32>
    %eq3A_91 = arith.constant 1.000000e+00 : f32
    %eq3A_92 = vector.broadcast %eq3A_91 : f32 to vector<16xf32>
    %eq3A_93 = arith.cmpf oeq, %get3A_85, %eq3A_92 : vector<16xf32>
    %get3A_94 = arith.constant 1 : i32
    %get3A_95 = arith.index_cast %get3A_94 : i32 to index
    %get3A_96 = arith.constant 32 : index
    %get3A_97 = tpu.vector_load %arg4[%get3A_95, %get3A_96] {strides = array<i32>} : memref<5x256xf32, #tpu.memory_space<vmem>>, vector<1x16xf32>,
    %get3A_98 = vector.shape_cast %get3A_97 : vector<1x16xf32> to vector<16xf32>
    %select_n3A_99 = arith.select %eq3A_93, %get3A_98, %get3A_90 : vector<16xi1>, vector<16xf32>
    %eq3A_100 = arith.constant 2.000000e+00 : f32
    %eq3A_101 = vector.broadcast %eq3A_100 : f32 to vector<16xf32>
    %eq3A_102 = arith.cmpf oeq, %get3A_85, %eq3A_101 : vector<16xf32>
    %get3A_103 = arith.constant 2 : i32
    %get3A_104 = arith.index_cast %get3A_103 : i32 to index
    %get3A_105 = arith.constant 32 : index
    %get3A_106 = tpu.vector_load %arg4[%get3A_104, %get3A_105] {strides = array<i32>} : memref<5x256xf32, #tpu.memory_space<vmem>>, vector<1x16xf32>,
    %get3A_107 = vector.shape_cast %get3A_106 : vector<1x16xf32> to vector<16xf32>
    %select_n3A_108 = arith.select %eq3A_102, %get3A_107, %select_n3A_99 : vector<16xi1>, vector<16xf32>
    %eq3A_109 = arith.constant 3.000000e+00 : f32
    %eq3A_110 = vector.broadcast %eq3A_109 : f32 to vector<16xf32>
    %eq3A_111 = arith.cmpf oeq, %get3A_85, %eq3A_110 : vector<16xf32>
    %get3A_112 = arith.constant 3 : i32
    %get3A_113 = arith.index_cast %get3A_112 : i32 to index
    %get3A_114 = arith.constant 32 : index
    %get3A_115 = tpu.vector_load %arg4[%get3A_113, %get3A_114] {strides = array<i32>} : memref<5x256xf32, #tpu.memory_space<vmem>>, vector<1x16xf32>,
    %get3A_116 = vector.shape_cast %get3A_115 : vector<1x16xf32> to vector<16xf32>
    %select_n3A_117 = arith.select %eq3A_111, %get3A_116, %select_n3A_108 : vector<16xi1>, vector<16xf32>
    %swap3A_118 = arith.constant 32 : index
    %swap3A_119 = tpu.vector_load %arg5[%swap3A_118] {strides = array<i32>} : memref<256xf32, #tpu.memory_space<vmem>>, vector<16xf32>,
    %swap3A_120 = vector.shape_cast %swap3A_119 : vector<16xf32> to vector<16xf32>
    %swap3A_121 = vector.shape_cast %select_n3A_117 : vector<16xf32> to vector<16xf32>
    tpu.vector_store %arg5[%swap3A_118], %swap3A_121 {strides = array<i32>} : memref<256xf32, #tpu.memory_space<vmem>>, vector<16xf32>,
    %get3A_122 = arith.constant 4 : i32
    %get3A_123 = arith.index_cast %get3A_122 : i32 to index
    %get3A_124 = arith.constant 48 : index
    %get3A_125 = tpu.vector_load %arg4[%get3A_123, %get3A_124] {strides = array<i32>} : memref<5x256xf32, #tpu.memory_space<vmem>>, vector<1x16xf32>,
    %get3A_126 = vector.shape_cast %get3A_125 : vector<1x16xf32> to vector<16xf32>
    %get3A_127 = arith.constant 0 : i32
    %get3A_128 = arith.index_cast %get3A_127 : i32 to index
    %get3A_129 = arith.constant 48 : index
    %get3A_130 = tpu.vector_load %arg4[%get3A_128, %get3A_129] {strides = array<i32>} : memref<5x256xf32, #tpu.memory_space<vmem>>, vector<1x16xf32>,
    %get3A_131 = vector.shape_cast %get3A_130 : vector<1x16xf32> to vector<16xf32>
    %eq3A_132 = arith.constant 1.000000e+00 : f32
    %eq3A_133 = vector.broadcast %eq3A_132 : f32 to vector<16xf32>
    %eq3A_134 = arith.cmpf oeq, %get3A_126, %eq3A_133 : vector<16xf32>
    %get3A_135 = arith.constant 1 : i32
    %get3A_136 = arith.index_cast %get3A_135 : i32 to index
    %get3A_137 = arith.constant 48 : index
    %get3A_138 = tpu.vector_load %arg4[%get3A_136, %get3A_137] {strides = array<i32>} : memref<5x256xf32, #tpu.memory_space<vmem>>, vector<1x16xf32>,
    %get3A_139 = vector.shape_cast %get3A_138 : vector<1x16xf32> to vector<16xf32>
    %select_n3A_140 = arith.select %eq3A_134, %get3A_139, %get3A_131 : vector<16xi1>, vector<16xf32>
    %eq3A_141 = arith.constant 2.000000e+00 : f32
    %eq3A_142 = vector.broadcast %eq3A_141 : f32 to vector<16xf32>
    %eq3A_143 = arith.cmpf oeq, %get3A_126, %eq3A_142 : vector<16xf32>
    %get3A_144 = arith.constant 2 : i32
    %get3A_145 = arith.index_cast %get3A_144 : i32 to index
    %get3A_146 = arith.constant 48 : index
    %get3A_147 = tpu.vector_load %arg4[%get3A_145, %get3A_146] {strides = array<i32>} : memref<5x256xf32, #tpu.memory_space<vmem>>, vector<1x16xf32>,
    %get3A_148 = vector.shape_cast %get3A_147 : vector<1x16xf32> to vector<16xf32>
    %select_n3A_149 = arith.select %eq3A_143, %get3A_148, %select_n3A_140 : vector<16xi1>, vector<16xf32>
    %eq3A_150 = arith.constant 3.000000e+00 : f32
    %eq3A_151 = vector.broadcast %eq3A_150 : f32 to vector<16xf32>
    %eq3A_152 = arith.cmpf oeq, %get3A_126, %eq3A_151 : vector<16xf32>
    %get3A_153 = arith.constant 3 : i32
    %get3A_154 = arith.index_cast %get3A_153 : i32 to index
    %get3A_155 = arith.constant 48 : index
    %get3A_156 = tpu.vector_load %arg4[%get3A_154, %get3A_155] {strides = array<i32>} : memref<5x256xf32, #tpu.memory_space<vmem>>, vector<1x16xf32>,
    %get3A_157 = vector.shape_cast %get3A_156 : vector<1x16xf32> to vector<16xf32>
    %select_n3A_158 = arith.select %eq3A_152, %get3A_157, %select_n3A_149 : vector<16xi1>, vector<16xf32>
    %swap3A_159 = arith.constant 48 : index
    %swap3A_160 = tpu.vector_load %arg5[%swap3A_159] {strides = array<i32>} : memref<256xf32, #tpu.memory_space<vmem>>, vector<16xf32>,
    %swap3A_161 = vector.shape_cast %swap3A_160 : vector<16xf32> to vector<16xf32>
    %swap3A_162 = vector.shape_cast %select_n3A_158 : vector<16xf32> to vector<16xf32>
    tpu.vector_store %arg5[%swap3A_159], %swap3A_162 {strides = array<i32>} : memref<256xf32, #tpu.memory_space<vmem>>, vector<16xf32>,
    %get3A_163 = arith.constant 4 : i32
    %get3A_164 = arith.index_cast %get3A_163 : i32 to index
    %get3A_165 = arith.constant 64 : index
    %get3A_166 = tpu.vector_load %arg4[%get3A_164, %get3A_165] {strides = array<i32>} : memref<5x256xf32, #tpu.memory_space<vmem>>, vector<1x16xf32>,
    %get3A_167 = vector.shape_cast %get3A_166 : vector<1x16xf32> to vector<16xf32>
    %get3A_168 = arith.constant 0 : i32
    %get3A_169 = arith.index_cast %get3A_168 : i32 to index
    %get3A_170 = arith.constant 64 : index
    %get3A_171 = tpu.vector_load %arg4[%get3A_169, %get3A_170] {strides = array<i32>} : memref<5x256xf32, #tpu.memory_space<vmem>>, vector<1x16xf32>,
    %get3A_172 = vector.shape_cast %get3A_171 : vector<1x16xf32> to vector<16xf32>
    %eq3A_173 = arith.constant 1.000000e+00 : f32
    %eq3A_174 = vector.broadcast %eq3A_173 : f32 to vector<16xf32>
    %eq3A_175 = arith.cmpf oeq, %get3A_167, %eq3A_174 : vector<16xf32>
    %get3A_176 = arith.constant 1 : i32
    %get3A_177 = arith.index_cast %get3A_176 : i32 to index
    %get3A_178 = arith.constant 64 : index
    %get3A_179 = tpu.vector_load %arg4[%get3A_177, %get3A_178] {strides = array<i32>} : memref<5x256xf32, #tpu.memory_space<vmem>>, vector<1x16xf32>,
    %get3A_180 = vector.shape_cast %get3A_179 : vector<1x16xf32> to vector<16xf32>
    %select_n3A_181 = arith.select %eq3A_175, %get3A_180, %get3A_172 : vector<16xi1>, vector<16xf32>
    %eq3A_182 = arith.constant 2.000000e+00 : f32
    %eq3A_183 = vector.broadcast %eq3A_182 : f32 to vector<16xf32>
    %eq3A_184 = arith.cmpf oeq, %get3A_167, %eq3A_183 : vector<16xf32>
    %get3A_185 = arith.constant 2 : i32
    %get3A_186 = arith.index_cast %get3A_185 : i32 to index
    %get3A_187 = arith.constant 64 : index
    %get3A_188 = tpu.vector_load %arg4[%get3A_186, %get3A_187] {strides = array<i32>} : memref<5x256xf32, #tpu.memory_space<vmem>>, vector<1x16xf32>,
    %get3A_189 = vector.shape_cast %get3A_188 : vector<1x16xf32> to vector<16xf32>
    %select_n3A_190 = arith.select %eq3A_184, %get3A_189, %select_n3A_181 : vector<16xi1>, vector<16xf32>
    %eq3A_191 = arith.constant 3.000000e+00 : f32
    %eq3A_192 = vector.broadcast %eq3A_191 : f32 to vector<16xf32>
    %eq3A_193 = arith.cmpf oeq, %get3A_167, %eq3A_192 : vector<16xf32>
    %get3A_194 = arith.constant 3 : i32
    %get3A_195 = arith.index_cast %get3A_194 : i32 to index
    %get3A_196 = arith.constant 64 : index
    %get3A_197 = tpu.vector_load %arg4[%get3A_195, %get3A_196] {strides = array<i32>} : memref<5x256xf32, #tpu.memory_space<vmem>>, vector<1x16xf32>,
    %get3A_198 = vector.shape_cast %get3A_197 : vector<1x16xf32> to vector<16xf32>
    %select_n3A_199 = arith.select %eq3A_193, %get3A_198, %select_n3A_190 : vector<16xi1>, vector<16xf32>
    %swap3A_200 = arith.constant 64 : index
    %swap3A_201 = tpu.vector_load %arg5[%swap3A_200] {strides = array<i32>} : memref<256xf32, #tpu.memory_space<vmem>>, vector<16xf32>,
    %swap3A_202 = vector.shape_cast %swap3A_201 : vector<16xf32> to vector<16xf32>
    %swap3A_203 = vector.shape_cast %select_n3A_199 : vector<16xf32> to vector<16xf32>
    tpu.vector_store %arg5[%swap3A_200], %swap3A_203 {strides = array<i32>} : memref<256xf32, #tpu.memory_space<vmem>>, vector<16xf32>,
    %get3A_204 = arith.constant 4 : i32
    %get3A_205 = arith.index_cast %get3A_204 : i32 to index
    %get3A_206 = arith.constant 80 : index
    %get3A_207 = tpu.vector_load %arg4[%get3A_205, %get3A_206] {strides = array<i32>} : memref<5x256xf32, #tpu.memory_space<vmem>>, vector<1x16xf32>,
    %get3A_208 = vector.shape_cast %get3A_207 : vector<1x16xf32> to vector<16xf32>
    %get3A_209 = arith.constant 0 : i32
    %get3A_210 = arith.index_cast %get3A_209 : i32 to index
    %get3A_211 = arith.constant 80 : index
    %get3A_212 = tpu.vector_load %arg4[%get3A_210, %get3A_211] {strides = array<i32>} : memref<5x256xf32, #tpu.memory_space<vmem>>, vector<1x16xf32>,
    %get3A_213 = vector.shape_cast %get3A_212 : vector<1x16xf32> to vector<16xf32>
    %eq3A_214 = arith.constant 1.000000e+00 : f32
    %eq3A_215 = vector.broadcast %eq3A_214 : f32 to vector<16xf32>
    %eq3A_216 = arith.cmpf oeq, %get3A_208, %eq3A_215 : vector<16xf32>
    %get3A_217 = arith.constant 1 : i32
    %get3A_218 = arith.index_cast %get3A_217 : i32 to index
    %get3A_219 = arith.constant 80 : index
    %get3A_220 = tpu.vector_load %arg4[%get3A_218, %get3A_219] {strides = array<i32>} : memref<5x256xf32, #tpu.memory_space<vmem>>, vector<1x16xf32>,
    %get3A_221 = vector.shape_cast %get3A_220 : vector<1x16xf32> to vector<16xf32>
    %select_n3A_222 = arith.select %eq3A_216, %get3A_221, %get3A_213 : vector<16xi1>, vector<16xf32>
    %eq3A_223 = arith.constant 2.000000e+00 : f32
    %eq3A_224 = vector.broadcast %eq3A_223 : f32 to vector<16xf32>
    %eq3A_225 = arith.cmpf oeq, %get3A_208, %eq3A_224 : vector<16xf32>
    %get3A_226 = arith.constant 2 : i32
    %get3A_227 = arith.index_cast %get3A_226 : i32 to index
    %get3A_228 = arith.constant 80 : index
    %get3A_229 = tpu.vector_load %arg4[%get3A_227, %get3A_228] {strides = array<i32>} : memref<5x256xf32, #tpu.memory_space<vmem>>, vector<1x16xf32>,
    %get3A_230 = vector.shape_cast %get3A_229 : vector<1x16xf32> to vector<16xf32>
    %select_n3A_231 = arith.select %eq3A_225, %get3A_230, %select_n3A_222 : vector<16xi1>, vector<16xf32>
    %eq3A_232 = arith.constant 3.000000e+00 : f32
    %eq3A_233 = vector.broadcast %eq3A_232 : f32 to vector<16xf32>
    %eq3A_234 = arith.cmpf oeq, %get3A_208, %eq3A_233 : vector<16xf32>
    %get3A_235 = arith.constant 3 : i32
    %get3A_236 = arith.index_cast %get3A_235 : i32 to index
    %get3A_237 = arith.constant 80 : index
    %get3A_238 = tpu.vector_load %arg4[%get3A_236, %get3A_237] {strides = array<i32>} : memref<5x256xf32, #tpu.memory_space<vmem>>, vector<1x16xf32>,
    %get3A_239 = vector.shape_cast %get3A_238 : vector<1x16xf32> to vector<16xf32>
    %select_n3A_240 = arith.select %eq3A_234, %get3A_239, %select_n3A_231 : vector<16xi1>, vector<16xf32>
    %swap3A_241 = arith.constant 80 : index
    %swap3A_242 = tpu.vector_load %arg5[%swap3A_241] {strides = array<i32>} : memref<256xf32, #tpu.memory_space<vmem>>, vector<16xf32>,
    %swap3A_243 = vector.shape_cast %swap3A_242 : vector<16xf32> to vector<16xf32>
    %swap3A_244 = vector.shape_cast %select_n3A_240 : vector<16xf32> to vector<16xf32>
    tpu.vector_store %arg5[%swap3A_241], %swap3A_244 {strides = array<i32>} : memref<256xf32, #tpu.memory_space<vmem>>, vector<16xf32>,
    %get3A_245 = arith.constant 4 : i32
    %get3A_246 = arith.index_cast %get3A_245 : i32 to index
    %get3A_247 = arith.constant 96 : index
    %get3A_248 = tpu.vector_load %arg4[%get3A_246, %get3A_247] {strides = array<i32>} : memref<5x256xf32, #tpu.memory_space<vmem>>, vector<1x16xf32>,
    %get3A_249 = vector.shape_cast %get3A_248 : vector<1x16xf32> to vector<16xf32>
    %get3A_250 = arith.constant 0 : i32
    %get3A_251 = arith.index_cast %get3A_250 : i32 to index
    %get3A_252 = arith.constant 96 : index
    %get3A_253 = tpu.vector_load %arg4[%get3A_251, %get3A_252] {strides = array<i32>} : memref<5x256xf32, #tpu.memory_space<vmem>>, vector<1x16xf32>,
    %get3A_254 = vector.shape_cast %get3A_253 : vector<1x16xf32> to vector<16xf32>
    %eq3A_255 = arith.constant 1.000000e+00 : f32
    %eq3A_256 = vector.broadcast %eq3A_255 : f32 to vector<16xf32>
    %eq3A_257 = arith.cmpf oeq, %get3A_249, %eq3A_256 : vector<16xf32>
    %get3A_258 = arith.constant 1 : i32
    %get3A_259 = arith.index_cast %get3A_258 : i32 to index
    %get3A_260 = arith.constant 96 : index
    %get3A_261 = tpu.vector_load %arg4[%get3A_259, %get3A_260] {strides = array<i32>} : memref<5x256xf32, #tpu.memory_space<vmem>>, vector<1x16xf32>,
    %get3A_262 = vector.shape_cast %get3A_261 : vector<1x16xf32> to vector<16xf32>
    %select_n3A_263 = arith.select %eq3A_257, %get3A_262, %get3A_254 : vector<16xi1>, vector<16xf32>
    %eq3A_264 = arith.constant 2.000000e+00 : f32
    %eq3A_265 = vector.broadcast %eq3A_264 : f32 to vector<16xf32>
    %eq3A_266 = arith.cmpf oeq, %get3A_249, %eq3A_265 : vector<16xf32>
    %get3A_267 = arith.constant 2 : i32
    %get3A_268 = arith.index_cast %get3A_267 : i32 to index
    %get3A_269 = arith.constant 96 : index
    %get3A_270 = tpu.vector_load %arg4[%get3A_268, %get3A_269] {strides = array<i32>} : memref<5x256xf32, #tpu.memory_space<vmem>>, vector<1x16xf32>,
    %get3A_271 = vector.shape_cast %get3A_270 : vector<1x16xf32> to vector<16xf32>
    %select_n3A_272 = arith.select %eq3A_266, %get3A_271, %select_n3A_263 : vector<16xi1>, vector<16xf32>
    %eq3A_273 = arith.constant 3.000000e+00 : f32
    %eq3A_274 = vector.broadcast %eq3A_273 : f32 to vector<16xf32>
    %eq3A_275 = arith.cmpf oeq, %get3A_249, %eq3A_274 : vector<16xf32>
    %get3A_276 = arith.constant 3 : i32
    %get3A_277 = arith.index_cast %get3A_276 : i32 to index
    %get3A_278 = arith.constant 96 : index
    %get3A_279 = tpu.vector_load %arg4[%get3A_277, %get3A_278] {strides = array<i32>} : memref<5x256xf32, #tpu.memory_space<vmem>>, vector<1x16xf32>,
    %get3A_280 = vector.shape_cast %get3A_279 : vector<1x16xf32> to vector<16xf32>
    %select_n3A_281 = arith.select %eq3A_275, %get3A_280, %select_n3A_272 : vector<16xi1>, vector<16xf32>
    %swap3A_282 = arith.constant 96 : index
    %swap3A_283 = tpu.vector_load %arg5[%swap3A_282] {strides = array<i32>} : memref<256xf32, #tpu.memory_space<vmem>>, vector<16xf32>,
    %swap3A_284 = vector.shape_cast %swap3A_283 : vector<16xf32> to vector<16xf32>
    %swap3A_285 = vector.shape_cast %select_n3A_281 : vector<16xf32> to vector<16xf32>
    tpu.vector_store %arg5[%swap3A_282], %swap3A_285 {strides = array<i32>} : memref<256xf32, #tpu.memory_space<vmem>>, vector<16xf32>,
    %get3A_286 = arith.constant 4 : i32
    %get3A_287 = arith.index_cast %get3A_286 : i32 to index
    %get3A_288 = arith.constant 112 : index
    %get3A_289 = tpu.vector_load %arg4[%get3A_287, %get3A_288] {strides = array<i32>} : memref<5x256xf32, #tpu.memory_space<vmem>>, vector<1x16xf32>,
    %get3A_290 = vector.shape_cast %get3A_289 : vector<1x16xf32> to vector<16xf32>
    %get3A_291 = arith.constant 0 : i32
    %get3A_292 = arith.index_cast %get3A_291 : i32 to index
    %get3A_293 = arith.constant 112 : index
    %get3A_294 = tpu.vector_load %arg4[%get3A_292, %get3A_293] {strides = array<i32>} : memref<5x256xf32, #tpu.memory_space<vmem>>, vector<1x16xf32>,
    %get3A_295 = vector.shape_cast %get3A_294 : vector<1x16xf32> to vector<16xf32>
    %eq3A_296 = arith.constant 1.000000e+00 : f32
    %eq3A_297 = vector.broadcast %eq3A_296 : f32 to vector<16xf32>
    %eq3A_298 = arith.cmpf oeq, %get3A_290, %eq3A_297 : vector<16xf32>
    %get3A_299 = arith.constant 1 : i32
    %get3A_300 = arith.index_cast %get3A_299 : i32 to index
    %get3A_301 = arith.constant 112 : index
    %get3A_302 = tpu.vector_load %arg4[%get3A_300, %get3A_301] {strides = array<i32>} : memref<5x256xf32, #tpu.memory_space<vmem>>, vector<1x16xf32>,
    %get3A_303 = vector.shape_cast %get3A_302 : vector<1x16xf32> to vector<16xf32>
    %select_n3A_304 = arith.select %eq3A_298, %get3A_303, %get3A_295 : vector<16xi1>, vector<16xf32>
    %eq3A_305 = arith.constant 2.000000e+00 : f32
    %eq3A_306 = vector.broadcast %eq3A_305 : f32 to vector<16xf32>
    %eq3A_307 = arith.cmpf oeq, %get3A_290, %eq3A_306 : vector<16xf32>
    %get3A_308 = arith.constant 2 : i32
    %get3A_309 = arith.index_cast %get3A_308 : i32 to index
    %get3A_310 = arith.constant 112 : index
    %get3A_311 = tpu.vector_load %arg4[%get3A_309, %get3A_310] {strides = array<i32>} : memref<5x256xf32, #tpu.memory_space<vmem>>, vector<1x16xf32>,
    %get3A_312 = vector.shape_cast %get3A_311 : vector<1x16xf32> to vector<16xf32>
    %select_n3A_313 = arith.select %eq3A_307, %get3A_312, %select_n3A_304 : vector<16xi1>, vector<16xf32>
    %eq3A_314 = arith.constant 3.000000e+00 : f32
    %eq3A_315 = vector.broadcast %eq3A_314 : f32 to vector<16xf32>
    %eq3A_316 = arith.cmpf oeq, %get3A_290, %eq3A_315 : vector<16xf32>
    %get3A_317 = arith.constant 3 : i32
    %get3A_318 = arith.index_cast %get3A_317 : i32 to index
    %get3A_319 = arith.constant 112 : index
    %get3A_320 = tpu.vector_load %arg4[%get3A_318, %get3A_319] {strides = array<i32>} : memref<5x256xf32, #tpu.memory_space<vmem>>, vector<1x16xf32>,
    %get3A_321 = vector.shape_cast %get3A_320 : vector<1x16xf32> to vector<16xf32>
    %select_n3A_322 = arith.select %eq3A_316, %get3A_321, %select_n3A_313 : vector<16xi1>, vector<16xf32>
    %swap3A_323 = arith.constant 112 : index
    %swap3A_324 = tpu.vector_load %arg5[%swap3A_323] {strides = array<i32>} : memref<256xf32, #tpu.memory_space<vmem>>, vector<16xf32>,
    %swap3A_325 = vector.shape_cast %swap3A_324 : vector<16xf32> to vector<16xf32>
    %swap3A_326 = vector.shape_cast %select_n3A_322 : vector<16xf32> to vector<16xf32>
    tpu.vector_store %arg5[%swap3A_323], %swap3A_326 {strides = array<i32>} : memref<256xf32, #tpu.memory_space<vmem>>, vector<16xf32>,
    %get3A_327 = arith.constant 4 : i32
    %get3A_328 = arith.index_cast %get3A_327 : i32 to index
    %get3A_329 = arith.constant 128 : index
    %get3A_330 = tpu.vector_load %arg4[%get3A_328, %get3A_329] {strides = array<i32>} : memref<5x256xf32, #tpu.memory_space<vmem>>, vector<1x16xf32>,
    %get3A_331 = vector.shape_cast %get3A_330 : vector<1x16xf32> to vector<16xf32>
    %get3A_332 = arith.constant 0 : i32
    %get3A_333 = arith.index_cast %get3A_332 : i32 to index
    %get3A_334 = arith.constant 128 : index
    %get3A_335 = tpu.vector_load %arg4[%get3A_333, %get3A_334] {strides = array<i32>} : memref<5x256xf32, #tpu.memory_space<vmem>>, vector<1x16xf32>,
    %get3A_336 = vector.shape_cast %get3A_335 : vector<1x16xf32> to vector<16xf32>
    %eq3A_337 = arith.constant 1.000000e+00 : f32
    %eq3A_338 = vector.broadcast %eq3A_337 : f32 to vector<16xf32>
    %eq3A_339 = arith.cmpf oeq, %get3A_331, %eq3A_338 : vector<16xf32>
    %get3A_340 = arith.constant 1 : i32
    %get3A_341 = arith.index_cast %get3A_340 : i32 to index
    %get3A_342 = arith.constant 128 : index
    %get3A_343 = tpu.vector_load %arg4[%get3A_341, %get3A_342] {strides = array<i32>} : memref<5x256xf32, #tpu.memory_space<vmem>>, vector<1x16xf32>,
    %get3A_344 = vector.shape_cast %get3A_343 : vector<1x16xf32> to vector<16xf32>
    %select_n3A_345 = arith.select %eq3A_339, %get3A_344, %get3A_336 : vector<16xi1>, vector<16xf32>
    %eq3A_346 = arith.constant 2.000000e+00 : f32
    %eq3A_347 = vector.broadcast %eq3A_346 : f32 to vector<16xf32>
    %eq3A_348 = arith.cmpf oeq, %get3A_331, %eq3A_347 : vector<16xf32>
    %get3A_349 = arith.constant 2 : i32
    %get3A_350 = arith.index_cast %get3A_349 : i32 to index
    %get3A_351 = arith.constant 128 : index
    %get3A_352 = tpu.vector_load %arg4[%get3A_350, %get3A_351] {strides = array<i32>} : memref<5x256xf32, #tpu.memory_space<vmem>>, vector<1x16xf32>,
    %get3A_353 = vector.shape_cast %get3A_352 : vector<1x16xf32> to vector<16xf32>
    %select_n3A_354 = arith.select %eq3A_348, %get3A_353, %select_n3A_345 : vector<16xi1>, vector<16xf32>
    %eq3A_355 = arith.constant 3.000000e+00 : f32
    %eq3A_356 = vector.broadcast %eq3A_355 : f32 to vector<16xf32>
    %eq3A_357 = arith.cmpf oeq, %get3A_331, %eq3A_356 : vector<16xf32>
    %get3A_358 = arith.constant 3 : i32
    %get3A_359 = arith.index_cast %get3A_358 : i32 to index
    %get3A_360 = arith.constant 128 : index
    %get3A_361 = tpu.vector_load %arg4[%get3A_359, %get3A_360] {strides = array<i32>} : memref<5x256xf32, #tpu.memory_space<vmem>>, vector<1x16xf32>,
    %get3A_362 = vector.shape_cast %get3A_361 : vector<1x16xf32> to vector<16xf32>
    %select_n3A_363 = arith.select %eq3A_357, %get3A_362, %select_n3A_354 : vector<16xi1>, vector<16xf32>
    %swap3A_364 = arith.constant 128 : index
    %swap3A_365 = tpu.vector_load %arg5[%swap3A_364] {strides = array<i32>} : memref<256xf32, #tpu.memory_space<vmem>>, vector<16xf32>,
    %swap3A_366 = vector.shape_cast %swap3A_365 : vector<16xf32> to vector<16xf32>
    %swap3A_367 = vector.shape_cast %select_n3A_363 : vector<16xf32> to vector<16xf32>
    tpu.vector_store %arg5[%swap3A_364], %swap3A_367 {strides = array<i32>} : memref<256xf32, #tpu.memory_space<vmem>>, vector<16xf32>,
    %get3A_368 = arith.constant 4 : i32
    %get3A_369 = arith.index_cast %get3A_368 : i32 to index
    %get3A_370 = arith.constant 144 : index
    %get3A_371 = tpu.vector_load %arg4[%get3A_369, %get3A_370] {strides = array<i32>} : memref<5x256xf32, #tpu.memory_space<vmem>>, vector<1x16xf32>,
    %get3A_372 = vector.shape_cast %get3A_371 : vector<1x16xf32> to vector<16xf32>
    %get3A_373 = arith.constant 0 : i32
    %get3A_374 = arith.index_cast %get3A_373 : i32 to index
    %get3A_375 = arith.constant 144 : index
    %get3A_376 = tpu.vector_load %arg4[%get3A_374, %get3A_375] {strides = array<i32>} : memref<5x256xf32, #tpu.memory_space<vmem>>, vector<1x16xf32>,
    %get3A_377 = vector.shape_cast %get3A_376 : vector<1x16xf32> to vector<16xf32>
    %eq3A_378 = arith.constant 1.000000e+00 : f32
    %eq3A_379 = vector.broadcast %eq3A_378 : f32 to vector<16xf32>
    %eq3A_380 = arith.cmpf oeq, %get3A_372, %eq3A_379 : vector<16xf32>
    %get3A_381 = arith.constant 1 : i32
    %get3A_382 = arith.index_cast %get3A_381 : i32 to index
    %get3A_383 = arith.constant 144 : index
    %get3A_384 = tpu.vector_load %arg4[%get3A_382, %get3A_383] {strides = array<i32>} : memref<5x256xf32, #tpu.memory_space<vmem>>, vector<1x16xf32>,
    %get3A_385 = vector.shape_cast %get3A_384 : vector<1x16xf32> to vector<16xf32>
    %select_n3A_386 = arith.select %eq3A_380, %get3A_385, %get3A_377 : vector<16xi1>, vector<16xf32>
    %eq3A_387 = arith.constant 2.000000e+00 : f32
    %eq3A_388 = vector.broadcast %eq3A_387 : f32 to vector<16xf32>
    %eq3A_389 = arith.cmpf oeq, %get3A_372, %eq3A_388 : vector<16xf32>
    %get3A_390 = arith.constant 2 : i32
    %get3A_391 = arith.index_cast %get3A_390 : i32 to index
    %get3A_392 = arith.constant 144 : index
    %get3A_393 = tpu.vector_load %arg4[%get3A_391, %get3A_392] {strides = array<i32>} : memref<5x256xf32, #tpu.memory_space<vmem>>, vector<1x16xf32>,
    %get3A_394 = vector.shape_cast %get3A_393 : vector<1x16xf32> to vector<16xf32>
    %select_n3A_395 = arith.select %eq3A_389, %get3A_394, %select_n3A_386 : vector<16xi1>, vector<16xf32>
    %eq3A_396 = arith.constant 3.000000e+00 : f32
    %eq3A_397 = vector.broadcast %eq3A_396 : f32 to vector<16xf32>
    %eq3A_398 = arith.cmpf oeq, %get3A_372, %eq3A_397 : vector<16xf32>
    %get3A_399 = arith.constant 3 : i32
    %get3A_400 = arith.index_cast %get3A_399 : i32 to index
    %get3A_401 = arith.constant 144 : index
    %get3A_402 = tpu.vector_load %arg4[%get3A_400, %get3A_401] {strides = array<i32>} : memref<5x256xf32, #tpu.memory_space<vmem>>, vector<1x16xf32>,
    %get3A_403 = vector.shape_cast %get3A_402 : vector<1x16xf32> to vector<16xf32>
    %select_n3A_404 = arith.select %eq3A_398, %get3A_403, %select_n3A_395 : vector<16xi1>, vector<16xf32>
    %swap3A_405 = arith.constant 144 : index
    %swap3A_406 = tpu.vector_load %arg5[%swap3A_405] {strides = array<i32>} : memref<256xf32, #tpu.memory_space<vmem>>, vector<16xf32>,
    %swap3A_407 = vector.shape_cast %swap3A_406 : vector<16xf32> to vector<16xf32>
    %swap3A_408 = vector.shape_cast %select_n3A_404 : vector<16xf32> to vector<16xf32>
    tpu.vector_store %arg5[%swap3A_405], %swap3A_408 {strides = array<i32>} : memref<256xf32, #tpu.memory_space<vmem>>, vector<16xf32>,
    %get3A_409 = arith.constant 4 : i32
    %get3A_410 = arith.index_cast %get3A_409 : i32 to index
    %get3A_411 = arith.constant 160 : index
    %get3A_412 = tpu.vector_load %arg4[%get3A_410, %get3A_411] {strides = array<i32>} : memref<5x256xf32, #tpu.memory_space<vmem>>, vector<1x16xf32>,
    %get3A_413 = vector.shape_cast %get3A_412 : vector<1x16xf32> to vector<16xf32>
    %get3A_414 = arith.constant 0 : i32
    %get3A_415 = arith.index_cast %get3A_414 : i32 to index
    %get3A_416 = arith.constant 160 : index
    %get3A_417 = tpu.vector_load %arg4[%get3A_415, %get3A_416] {strides = array<i32>} : memref<5x256xf32, #tpu.memory_space<vmem>>, vector<1x16xf32>,
    %get3A_418 = vector.shape_cast %get3A_417 : vector<1x16xf32> to vector<16xf32>
    %eq3A_419 = arith.constant 1.000000e+00 : f32
    %eq3A_420 = vector.broadcast %eq3A_419 : f32 to vector<16xf32>
    %eq3A_421 = arith.cmpf oeq, %get3A_413, %eq3A_420 : vector<16xf32>
    %get3A_422 = arith.constant 1 : i32
    %get3A_423 = arith.index_cast %get3A_422 : i32 to index
    %get3A_424 = arith.constant 160 : index
    %get3A_425 = tpu.vector_load %arg4[%get3A_423, %get3A_424] {strides = array<i32>} : memref<5x256xf32, #tpu.memory_space<vmem>>, vector<1x16xf32>,
    %get3A_426 = vector.shape_cast %get3A_425 : vector<1x16xf32> to vector<16xf32>
    %select_n3A_427 = arith.select %eq3A_421, %get3A_426, %get3A_418 : vector<16xi1>, vector<16xf32>
    %eq3A_428 = arith.constant 2.000000e+00 : f32
    %eq3A_429 = vector.broadcast %eq3A_428 : f32 to vector<16xf32>
    %eq3A_430 = arith.cmpf oeq, %get3A_413, %eq3A_429 : vector<16xf32>
    %get3A_431 = arith.constant 2 : i32
    %get3A_432 = arith.index_cast %get3A_431 : i32 to index
    %get3A_433 = arith.constant 160 : index
    %get3A_434 = tpu.vector_load %arg4[%get3A_432, %get3A_433] {strides = array<i32>} : memref<5x256xf32, #tpu.memory_space<vmem>>, vector<1x16xf32>,
    %get3A_435 = vector.shape_cast %get3A_434 : vector<1x16xf32> to vector<16xf32>
    %select_n3A_436 = arith.select %eq3A_430, %get3A_435, %select_n3A_427 : vector<16xi1>, vector<16xf32>
    %eq3A_437 = arith.constant 3.000000e+00 : f32
    %eq3A_438 = vector.broadcast %eq3A_437 : f32 to vector<16xf32>
    %eq3A_439 = arith.cmpf oeq, %get3A_413, %eq3A_438 : vector<16xf32>
    %get3A_440 = arith.constant 3 : i32
    %get3A_441 = arith.index_cast %get3A_440 : i32 to index
    %get3A_442 = arith.constant 160 : index
    %get3A_443 = tpu.vector_load %arg4[%get3A_441, %get3A_442] {strides = array<i32>} : memref<5x256xf32, #tpu.memory_space<vmem>>, vector<1x16xf32>,
    %get3A_444 = vector.shape_cast %get3A_443 : vector<1x16xf32> to vector<16xf32>
    %select_n3A_445 = arith.select %eq3A_439, %get3A_444, %select_n3A_436 : vector<16xi1>, vector<16xf32>
    %swap3A_446 = arith.constant 160 : index
    %swap3A_447 = tpu.vector_load %arg5[%swap3A_446] {strides = array<i32>} : memref<256xf32, #tpu.memory_space<vmem>>, vector<16xf32>,
    %swap3A_448 = vector.shape_cast %swap3A_447 : vector<16xf32> to vector<16xf32>
    %swap3A_449 = vector.shape_cast %select_n3A_445 : vector<16xf32> to vector<16xf32>
    tpu.vector_store %arg5[%swap3A_446], %swap3A_449 {strides = array<i32>} : memref<256xf32, #tpu.memory_space<vmem>>, vector<16xf32>,
    %get3A_450 = arith.constant 4 : i32
    %get3A_451 = arith.index_cast %get3A_450 : i32 to index
    %get3A_452 = arith.constant 176 : index
    %get3A_453 = tpu.vector_load %arg4[%get3A_451, %get3A_452] {strides = array<i32>} : memref<5x256xf32, #tpu.memory_space<vmem>>, vector<1x16xf32>,
    %get3A_454 = vector.shape_cast %get3A_453 : vector<1x16xf32> to vector<16xf32>
    %get3A_455 = arith.constant 0 : i32
    %get3A_456 = arith.index_cast %get3A_455 : i32 to index
    %get3A_457 = arith.constant 176 : index
    %get3A_458 = tpu.vector_load %arg4[%get3A_456, %get3A_457] {strides = array<i32>} : memref<5x256xf32, #tpu.memory_space<vmem>>, vector<1x16xf32>,
    %get3A_459 = vector.shape_cast %get3A_458 : vector<1x16xf32> to vector<16xf32>
    %eq3A_460 = arith.constant 1.000000e+00 : f32
    %eq3A_461 = vector.broadcast %eq3A_460 : f32 to vector<16xf32>
    %eq3A_462 = arith.cmpf oeq, %get3A_454, %eq3A_461 : vector<16xf32>
    %get3A_463 = arith.constant 1 : i32
    %get3A_464 = arith.index_cast %get3A_463 : i32 to index
    %get3A_465 = arith.constant 176 : index
    %get3A_466 = tpu.vector_load %arg4[%get3A_464, %get3A_465] {strides = array<i32>} : memref<5x256xf32, #tpu.memory_space<vmem>>, vector<1x16xf32>,
    %get3A_467 = vector.shape_cast %get3A_466 : vector<1x16xf32> to vector<16xf32>
    %select_n3A_468 = arith.select %eq3A_462, %get3A_467, %get3A_459 : vector<16xi1>, vector<16xf32>
    %eq3A_469 = arith.constant 2.000000e+00 : f32
    %eq3A_470 = vector.broadcast %eq3A_469 : f32 to vector<16xf32>
    %eq3A_471 = arith.cmpf oeq, %get3A_454, %eq3A_470 : vector<16xf32>
    %get3A_472 = arith.constant 2 : i32
    %get3A_473 = arith.index_cast %get3A_472 : i32 to index
    %get3A_474 = arith.constant 176 : index
    %get3A_475 = tpu.vector_load %arg4[%get3A_473, %get3A_474] {strides = array<i32>} : memref<5x256xf32, #tpu.memory_space<vmem>>, vector<1x16xf32>,
    %get3A_476 = vector.shape_cast %get3A_475 : vector<1x16xf32> to vector<16xf32>
    %select_n3A_477 = arith.select %eq3A_471, %get3A_476, %select_n3A_468 : vector<16xi1>, vector<16xf32>
    %eq3A_478 = arith.constant 3.000000e+00 : f32
    %eq3A_479 = vector.broadcast %eq3A_478 : f32 to vector<16xf32>
    %eq3A_480 = arith.cmpf oeq, %get3A_454, %eq3A_479 : vector<16xf32>
    %get3A_481 = arith.constant 3 : i32
    %get3A_482 = arith.index_cast %get3A_481 : i32 to index
    %get3A_483 = arith.constant 176 : index
    %get3A_484 = tpu.vector_load %arg4[%get3A_482, %get3A_483] {strides = array<i32>} : memref<5x256xf32, #tpu.memory_space<vmem>>, vector<1x16xf32>,
    %get3A_485 = vector.shape_cast %get3A_484 : vector<1x16xf32> to vector<16xf32>
    %select_n3A_486 = arith.select %eq3A_480, %get3A_485, %select_n3A_477 : vector<16xi1>, vector<16xf32>
    %swap3A_487 = arith.constant 176 : index
    %swap3A_488 = tpu.vector_load %arg5[%swap3A_487] {strides = array<i32>} : memref<256xf32, #tpu.memory_space<vmem>>, vector<16xf32>,
    %swap3A_489 = vector.shape_cast %swap3A_488 : vector<16xf32> to vector<16xf32>
    %swap3A_490 = vector.shape_cast %select_n3A_486 : vector<16xf32> to vector<16xf32>
    tpu.vector_store %arg5[%swap3A_487], %swap3A_490 {strides = array<i32>} : memref<256xf32, #tpu.memory_space<vmem>>, vector<16xf32>,
    %get3A_491 = arith.constant 4 : i32
    %get3A_492 = arith.index_cast %get3A_491 : i32 to index
    %get3A_493 = arith.constant 192 : index
    %get3A_494 = tpu.vector_load %arg4[%get3A_492, %get3A_493] {strides = array<i32>} : memref<5x256xf32, #tpu.memory_space<vmem>>, vector<1x16xf32>,
    %get3A_495 = vector.shape_cast %get3A_494 : vector<1x16xf32> to vector<16xf32>
    %get3A_496 = arith.constant 0 : i32
    %get3A_497 = arith.index_cast %get3A_496 : i32 to index
    %get3A_498 = arith.constant 192 : index
    %get3A_499 = tpu.vector_load %arg4[%get3A_497, %get3A_498] {strides = array<i32>} : memref<5x256xf32, #tpu.memory_space<vmem>>, vector<1x16xf32>,
    %get3A_500 = vector.shape_cast %get3A_499 : vector<1x16xf32> to vector<16xf32>
    %eq3A_501 = arith.constant 1.000000e+00 : f32
    %eq3A_502 = vector.broadcast %eq3A_501 : f32 to vector<16xf32>
    %eq3A_503 = arith.cmpf oeq, %get3A_495, %eq3A_502 : vector<16xf32>
    %get3A_504 = arith.constant 1 : i32
    %get3A_505 = arith.index_cast %get3A_504 : i32 to index
    %get3A_506 = arith.constant 192 : index
    %get3A_507 = tpu.vector_load %arg4[%get3A_505, %get3A_506] {strides = array<i32>} : memref<5x256xf32, #tpu.memory_space<vmem>>, vector<1x16xf32>,
    %get3A_508 = vector.shape_cast %get3A_507 : vector<1x16xf32> to vector<16xf32>
    %select_n3A_509 = arith.select %eq3A_503, %get3A_508, %get3A_500 : vector<16xi1>, vector<16xf32>
    %eq3A_510 = arith.constant 2.000000e+00 : f32
    %eq3A_511 = vector.broadcast %eq3A_510 : f32 to vector<16xf32>
    %eq3A_512 = arith.cmpf oeq, %get3A_495, %eq3A_511 : vector<16xf32>
    %get3A_513 = arith.constant 2 : i32
    %get3A_514 = arith.index_cast %get3A_513 : i32 to index
    %get3A_515 = arith.constant 192 : index
    %get3A_516 = tpu.vector_load %arg4[%get3A_514, %get3A_515] {strides = array<i32>} : memref<5x256xf32, #tpu.memory_space<vmem>>, vector<1x16xf32>,
    %get3A_517 = vector.shape_cast %get3A_516 : vector<1x16xf32> to vector<16xf32>
    %select_n3A_518 = arith.select %eq3A_512, %get3A_517, %select_n3A_509 : vector<16xi1>, vector<16xf32>
    %eq3A_519 = arith.constant 3.000000e+00 : f32
    %eq3A_520 = vector.broadcast %eq3A_519 : f32 to vector<16xf32>
    %eq3A_521 = arith.cmpf oeq, %get3A_495, %eq3A_520 : vector<16xf32>
    %get3A_522 = arith.constant 3 : i32
    %get3A_523 = arith.index_cast %get3A_522 : i32 to index
    %get3A_524 = arith.constant 192 : index
    %get3A_525 = tpu.vector_load %arg4[%get3A_523, %get3A_524] {strides = array<i32>} : memref<5x256xf32, #tpu.memory_space<vmem>>, vector<1x16xf32>,
    %get3A_526 = vector.shape_cast %get3A_525 : vector<1x16xf32> to vector<16xf32>
    %select_n3A_527 = arith.select %eq3A_521, %get3A_526, %select_n3A_518 : vector<16xi1>, vector<16xf32>
    %swap3A_528 = arith.constant 192 : index
    %swap3A_529 = tpu.vector_load %arg5[%swap3A_528] {strides = array<i32>} : memref<256xf32, #tpu.memory_space<vmem>>, vector<16xf32>,
    %swap3A_530 = vector.shape_cast %swap3A_529 : vector<16xf32> to vector<16xf32>
    %swap3A_531 = vector.shape_cast %select_n3A_527 : vector<16xf32> to vector<16xf32>
    tpu.vector_store %arg5[%swap3A_528], %swap3A_531 {strides = array<i32>} : memref<256xf32, #tpu.memory_space<vmem>>, vector<16xf32>,
    %get3A_532 = arith.constant 4 : i32
    %get3A_533 = arith.index_cast %get3A_532 : i32 to index
    %get3A_534 = arith.constant 208 : index
    %get3A_535 = tpu.vector_load %arg4[%get3A_533, %get3A_534] {strides = array<i32>} : memref<5x256xf32, #tpu.memory_space<vmem>>, vector<1x16xf32>,
    %get3A_536 = vector.shape_cast %get3A_535 : vector<1x16xf32> to vector<16xf32>
    %get3A_537 = arith.constant 0 : i32
    %get3A_538 = arith.index_cast %get3A_537 : i32 to index
    %get3A_539 = arith.constant 208 : index
    %get3A_540 = tpu.vector_load %arg4[%get3A_538, %get3A_539] {strides = array<i32>} : memref<5x256xf32, #tpu.memory_space<vmem>>, vector<1x16xf32>,
    %get3A_541 = vector.shape_cast %get3A_540 : vector<1x16xf32> to vector<16xf32>
    %eq3A_542 = arith.constant 1.000000e+00 : f32
    %eq3A_543 = vector.broadcast %eq3A_542 : f32 to vector<16xf32>
    %eq3A_544 = arith.cmpf oeq, %get3A_536, %eq3A_543 : vector<16xf32>
    %get3A_545 = arith.constant 1 : i32
    %get3A_546 = arith.index_cast %get3A_545 : i32 to index
    %get3A_547 = arith.constant 208 : index
    %get3A_548 = tpu.vector_load %arg4[%get3A_546, %get3A_547] {strides = array<i32>} : memref<5x256xf32, #tpu.memory_space<vmem>>, vector<1x16xf32>,
    %get3A_549 = vector.shape_cast %get3A_548 : vector<1x16xf32> to vector<16xf32>
    %select_n3A_550 = arith.select %eq3A_544, %get3A_549, %get3A_541 : vector<16xi1>, vector<16xf32>
    %eq3A_551 = arith.constant 2.000000e+00 : f32
    %eq3A_552 = vector.broadcast %eq3A_551 : f32 to vector<16xf32>
    %eq3A_553 = arith.cmpf oeq, %get3A_536, %eq3A_552 : vector<16xf32>
    %get3A_554 = arith.constant 2 : i32
    %get3A_555 = arith.index_cast %get3A_554 : i32 to index
    %get3A_556 = arith.constant 208 : index
    %get3A_557 = tpu.vector_load %arg4[%get3A_555, %get3A_556] {strides = array<i32>} : memref<5x256xf32, #tpu.memory_space<vmem>>, vector<1x16xf32>,
    %get3A_558 = vector.shape_cast %get3A_557 : vector<1x16xf32> to vector<16xf32>
    %select_n3A_559 = arith.select %eq3A_553, %get3A_558, %select_n3A_550 : vector<16xi1>, vector<16xf32>
    %eq3A_560 = arith.constant 3.000000e+00 : f32
    %eq3A_561 = vector.broadcast %eq3A_560 : f32 to vector<16xf32>
    %eq3A_562 = arith.cmpf oeq, %get3A_536, %eq3A_561 : vector<16xf32>
    %get3A_563 = arith.constant 3 : i32
    %get3A_564 = arith.index_cast %get3A_563 : i32 to index
    %get3A_565 = arith.constant 208 : index
    %get3A_566 = tpu.vector_load %arg4[%get3A_564, %get3A_565] {strides = array<i32>} : memref<5x256xf32, #tpu.memory_space<vmem>>, vector<1x16xf32>,
    %get3A_567 = vector.shape_cast %get3A_566 : vector<1x16xf32> to vector<16xf32>
    %select_n3A_568 = arith.select %eq3A_562, %get3A_567, %select_n3A_559 : vector<16xi1>, vector<16xf32>
    %swap3A_569 = arith.constant 208 : index
    %swap3A_570 = tpu.vector_load %arg5[%swap3A_569] {strides = array<i32>} : memref<256xf32, #tpu.memory_space<vmem>>, vector<16xf32>,
    %swap3A_571 = vector.shape_cast %swap3A_570 : vector<16xf32> to vector<16xf32>
    %swap3A_572 = vector.shape_cast %select_n3A_568 : vector<16xf32> to vector<16xf32>
    tpu.vector_store %arg5[%swap3A_569], %swap3A_572 {strides = array<i32>} : memref<256xf32, #tpu.memory_space<vmem>>, vector<16xf32>,
    %get3A_573 = arith.constant 4 : i32
    %get3A_574 = arith.index_cast %get3A_573 : i32 to index
    %get3A_575 = arith.constant 224 : index
    %get3A_576 = tpu.vector_load %arg4[%get3A_574, %get3A_575] {strides = array<i32>} : memref<5x256xf32, #tpu.memory_space<vmem>>, vector<1x16xf32>,
    %get3A_577 = vector.shape_cast %get3A_576 : vector<1x16xf32> to vector<16xf32>
    %get3A_578 = arith.constant 0 : i32
    %get3A_579 = arith.index_cast %get3A_578 : i32 to index
    %get3A_580 = arith.constant 224 : index
    %get3A_581 = tpu.vector_load %arg4[%get3A_579, %get3A_580] {strides = array<i32>} : memref<5x256xf32, #tpu.memory_space<vmem>>, vector<1x16xf32>,
    %get3A_582 = vector.shape_cast %get3A_581 : vector<1x16xf32> to vector<16xf32>
    %eq3A_583 = arith.constant 1.000000e+00 : f32
    %eq3A_584 = vector.broadcast %eq3A_583 : f32 to vector<16xf32>
    %eq3A_585 = arith.cmpf oeq, %get3A_577, %eq3A_584 : vector<16xf32>
    %get3A_586 = arith.constant 1 : i32
    %get3A_587 = arith.index_cast %get3A_586 : i32 to index
    %get3A_588 = arith.constant 224 : index
    %get3A_589 = tpu.vector_load %arg4[%get3A_587, %get3A_588] {strides = array<i32>} : memref<5x256xf32, #tpu.memory_space<vmem>>, vector<1x16xf32>,
    %get3A_590 = vector.shape_cast %get3A_589 : vector<1x16xf32> to vector<16xf32>
    %select_n3A_591 = arith.select %eq3A_585, %get3A_590, %get3A_582 : vector<16xi1>, vector<16xf32>
    %eq3A_592 = arith.constant 2.000000e+00 : f32
    %eq3A_593 = vector.broadcast %eq3A_592 : f32 to vector<16xf32>
    %eq3A_594 = arith.cmpf oeq, %get3A_577, %eq3A_593 : vector<16xf32>
    %get3A_595 = arith.constant 2 : i32
    %get3A_596 = arith.index_cast %get3A_595 : i32 to index
    %get3A_597 = arith.constant 224 : index
    %get3A_598 = tpu.vector_load %arg4[%get3A_596, %get3A_597] {strides = array<i32>} : memref<5x256xf32, #tpu.memory_space<vmem>>, vector<1x16xf32>,
    %get3A_599 = vector.shape_cast %get3A_598 : vector<1x16xf32> to vector<16xf32>
    %select_n3A_600 = arith.select %eq3A_594, %get3A_599, %select_n3A_591 : vector<16xi1>, vector<16xf32>
    %eq3A_601 = arith.constant 3.000000e+00 : f32
    %eq3A_602 = vector.broadcast %eq3A_601 : f32 to vector<16xf32>
    %eq3A_603 = arith.cmpf oeq, %get3A_577, %eq3A_602 : vector<16xf32>
    %get3A_604 = arith.constant 3 : i32
    %get3A_605 = arith.index_cast %get3A_604 : i32 to index
    %get3A_606 = arith.constant 224 : index
    %get3A_607 = tpu.vector_load %arg4[%get3A_605, %get3A_606] {strides = array<i32>} : memref<5x256xf32, #tpu.memory_space<vmem>>, vector<1x16xf32>,
    %get3A_608 = vector.shape_cast %get3A_607 : vector<1x16xf32> to vector<16xf32>
    %select_n3A_609 = arith.select %eq3A_603, %get3A_608, %select_n3A_600 : vector<16xi1>, vector<16xf32>
    %swap3A_610 = arith.constant 224 : index
    %swap3A_611 = tpu.vector_load %arg5[%swap3A_610] {strides = array<i32>} : memref<256xf32, #tpu.memory_space<vmem>>, vector<16xf32>,
    %swap3A_612 = vector.shape_cast %swap3A_611 : vector<16xf32> to vector<16xf32>
    %swap3A_613 = vector.shape_cast %select_n3A_609 : vector<16xf32> to vector<16xf32>
    tpu.vector_store %arg5[%swap3A_610], %swap3A_613 {strides = array<i32>} : memref<256xf32, #tpu.memory_space<vmem>>, vector<16xf32>,
    %get3A_614 = arith.constant 4 : i32
    %get3A_615 = arith.index_cast %get3A_614 : i32 to index
    %get3A_616 = arith.constant 240 : index
    %get3A_617 = tpu.vector_load %arg4[%get3A_615, %get3A_616] {strides = array<i32>} : memref<5x256xf32, #tpu.memory_space<vmem>>, vector<1x16xf32>,
    %get3A_618 = vector.shape_cast %get3A_617 : vector<1x16xf32> to vector<16xf32>
    %get3A_619 = arith.constant 0 : i32
    %get3A_620 = arith.index_cast %get3A_619 : i32 to index
    %get3A_621 = arith.constant 240 : index
    %get3A_622 = tpu.vector_load %arg4[%get3A_620, %get3A_621] {strides = array<i32>} : memref<5x256xf32, #tpu.memory_space<vmem>>, vector<1x16xf32>,
    %get3A_623 = vector.shape_cast %get3A_622 : vector<1x16xf32> to vector<16xf32>
    %eq3A_624 = arith.constant 1.000000e+00 : f32
    %eq3A_625 = vector.broadcast %eq3A_624 : f32 to vector<16xf32>
    %eq3A_626 = arith.cmpf oeq, %get3A_618, %eq3A_625 : vector<16xf32>
    %get3A_627 = arith.constant 1 : i32
    %get3A_628 = arith.index_cast %get3A_627 : i32 to index
    %get3A_629 = arith.constant 240 : index
    %get3A_630 = tpu.vector_load %arg4[%get3A_628, %get3A_629] {strides = array<i32>} : memref<5x256xf32, #tpu.memory_space<vmem>>, vector<1x16xf32>,
    %get3A_631 = vector.shape_cast %get3A_630 : vector<1x16xf32> to vector<16xf32>
    %select_n3A_632 = arith.select %eq3A_626, %get3A_631, %get3A_623 : vector<16xi1>, vector<16xf32>
    %eq3A_633 = arith.constant 2.000000e+00 : f32
    %eq3A_634 = vector.broadcast %eq3A_633 : f32 to vector<16xf32>
    %eq3A_635 = arith.cmpf oeq, %get3A_618, %eq3A_634 : vector<16xf32>
    %get3A_636 = arith.constant 2 : i32
    %get3A_637 = arith.index_cast %get3A_636 : i32 to index
    %get3A_638 = arith.constant 240 : index
    %get3A_639 = tpu.vector_load %arg4[%get3A_637, %get3A_638] {strides = array<i32>} : memref<5x256xf32, #tpu.memory_space<vmem>>, vector<1x16xf32>,
    %get3A_640 = vector.shape_cast %get3A_639 : vector<1x16xf32> to vector<16xf32>
    %select_n3A_641 = arith.select %eq3A_635, %get3A_640, %select_n3A_632 : vector<16xi1>, vector<16xf32>
    %eq3A_642 = arith.constant 3.000000e+00 : f32
    %eq3A_643 = vector.broadcast %eq3A_642 : f32 to vector<16xf32>
    %eq3A_644 = arith.cmpf oeq, %get3A_618, %eq3A_643 : vector<16xf32>
    %get3A_645 = arith.constant 3 : i32
    %get3A_646 = arith.index_cast %get3A_645 : i32 to index
    %get3A_647 = arith.constant 240 : index
    %get3A_648 = tpu.vector_load %arg4[%get3A_646, %get3A_647] {strides = array<i32>} : memref<5x256xf32, #tpu.memory_space<vmem>>, vector<1x16xf32>,
    %get3A_649 = vector.shape_cast %get3A_648 : vector<1x16xf32> to vector<16xf32>
    %select_n3A_650 = arith.select %eq3A_644, %get3A_649, %select_n3A_641 : vector<16xi1>, vector<16xf32>
    %swap3A_651 = arith.constant 240 : index
    %swap3A_652 = tpu.vector_load %arg5[%swap3A_651] {strides = array<i32>} : memref<256xf32, #tpu.memory_space<vmem>>, vector<16xf32>,
    %swap3A_653 = vector.shape_cast %swap3A_652 : vector<16xf32> to vector<16xf32>
    %swap3A_654 = vector.shape_cast %select_n3A_650 : vector<16xf32> to vector<16xf32>
    tpu.vector_store %arg5[%swap3A_651], %swap3A_654 {strides = array<i32>} : memref<256xf32, #tpu.memory_space<vmem>>, vector<16xf32>,
    "tpu.region"() ({
      %run_scoped3A = tpu.sem_alloc : memref<!tpu.dma_semaphore, #tpu.memory_space<semaphore_mem>>
      %dma_start3A = tpu.memref_slice %arg3[%mul3A_2] : memref<8192xf32, #tpu.memory_space<hbm>> -> memref<256xf32, #tpu.memory_space<hbm>>
      %dma_start3A_655 = tpu.memref_slice %arg3[%mul3A_2] : memref<8192xf32, #tpu.memory_space<hbm>> -> memref<256xf32, #tpu.memory_space<hbm>>
      tpu.enqueue_dma source(%arg5 : memref<256xf32, #tpu.memory_space<vmem>>) target(%dma_start3A_655 : memref<256xf32, #tpu.memory_space<hbm>>) target_semaphore(%run_scoped3A : memref<!tpu.dma_semaphore, #tpu.memory_space<semaphore_mem>>)
      %dma_wait3A = tpu.memref_slice %arg3[%mul3A_2] : memref<8192xf32, #tpu.memory_space<hbm>> -> memref<256xf32, #tpu.memory_space<hbm>>
      %dma_wait3A_656 = tpu.memref_slice %arg3[%mul3A_2] : memref<8192xf32, #tpu.memory_space<hbm>> -> memref<256xf32, #tpu.memory_space<hbm>>
      tpu.wait_dma2 semaphore(%run_scoped3A : memref<!tpu.dma_semaphore, #tpu.memory_space<semaphore_mem>>) src(%arg5 : memref<256xf32, #tpu.memory_space<vmem>>) dst(%dma_wait3A_656 : memref<256xf32, #tpu.memory_space<hbm>>)
      tpu.yield
    }) : () -> ()
    return
  }
}

module attributes {stable_mosaic.version = 14 : i64} {
  func.func @_moe_body(%arg0: i32, %arg1: memref<512x4096xf32, #tpu.memory_space<vmem>>, %arg2: memref<4096x5xf32, #tpu.memory_space<vmem>>, %arg3: memref<1x4xf32, #tpu.memory_space<vmem>>, %arg4: memref<512x4xf32, #tpu.memory_space<vmem>>, %arg5: memref<4096x3xbf16, #tpu.memory_space<vmem>>, %arg6: memref<8x512xf32, #tpu.memory_space<vmem>>) attributes {dimension_semantics = [#tpu.dimension_semantics<parallel>], iteration_bounds = array<i64: 16>, scalar_prefetch = 0 : i64, scratch_operands = 0 : i64, tpu.core_type = #tpu.core_type<tc>, window_params = [{transform_indices = @transform_0, window_bounds = array<i64: 512, 4096>}, {pipeline_mode = #tpu.pipeline_mode<synchronous>, transform_indices = @transform_1, window_bounds = array<i64: 4096, 5>}, {pipeline_mode = #tpu.pipeline_mode<synchronous>, transform_indices = @transform_2, window_bounds = array<i64: 1, 4>}, {transform_indices = @transform_3, window_bounds = array<i64: 512, 4>}, {pipeline_mode = #tpu.pipeline_mode<synchronous>, transform_indices = @transform_4, window_bounds = array<i64: 4096, 3>}, {transform_indices = @transform_5, window_bounds = array<i64: 8, 512>}]} {
    %get3A = arith.constant 0 : index
    %get3A_0 = arith.constant 0 : index
    %get3A_1 = vector.load %arg1[%get3A, %get3A_0] : memref<512x4096xf32, #tpu.memory_space<vmem>>, vector<512x4096xf32>
    %get3A_2 = arith.constant 0 : index
    %get3A_3 = arith.constant 0 : index
    %get3A_4 = vector.load %arg2[%get3A_2, %get3A_3] : memref<4096x5xf32, #tpu.memory_space<vmem>>, vector<4096x5xf32>
    %dot_general3A = arith.constant dense<0.000000e+00> : vector<512x5xf32>
    %dot_general3A_5 = tpu.matmul %get3A_1, %get3A_4, %dot_general3A {dimension_numbers = #tpu.dot_dimension_numbers<[1], [0], [0], [1], [0, 0, 1, 1], [], []>, transpose_lhs_hint = false} : vector<512x4096xf32>, vector<4096x5xf32>, vector<512x5xf32> -> vector<512x5xf32>
    %slice3A = vector.extract_strided_slice %dot_general3A_5 {offsets = [0, 0], sizes = [512, 4], strides = [1, 1]} : vector<512x5xf32> to vector<512x4xf32>
    %slice3A_6 = vector.extract_strided_slice %dot_general3A_5 {offsets = [0, 4], sizes = [512, 1], strides = [1, 1]} : vector<512x5xf32> to vector<512x1xf32>
    %squeeze3A = vector.shape_cast %slice3A_6 : vector<512x1xf32> to vector<512xf32>
    %get3A_7 = arith.constant 0 : index
    %get3A_8 = arith.constant 0 : index
    %get3A_9 = vector.load %arg3[%get3A_7, %get3A_8] : memref<1x4xf32, #tpu.memory_space<vmem>>, vector<1x4xf32>
    %add3A = vector.broadcast %get3A_9 : vector<1x4xf32> to vector<512x4xf32>
    %add3A_10 = arith.addf %slice3A, %add3A : vector<512x4xf32>
    %get3A_11 = arith.constant 0 : index
    %get3A_12 = arith.constant 0 : index
    %get3A_13 = vector.load %arg4[%get3A_11, %get3A_12] : memref<512x4xf32, #tpu.memory_space<vmem>>, vector<512x4xf32>
    %add3A_14 = arith.addf %add3A_10, %get3A_13 : vector<512x4xf32>
    %argmax3A = tpu.reduce_index %add3A_14 {axis = 1 : i32, kind = #tpu.reduction_kind<arg_max>} : vector<512x4xf32> -> vector<512xi32>
    %ne3A = arith.constant 0.000000e+00 : f32
    %ne3A_15 = vector.broadcast %ne3A : f32 to vector<512x4096xf32>
    %ne3A_16 = arith.cmpf one, %get3A_1, %ne3A_15 : vector<512x4096xf32>
    %convert_element_type3A = arith.extui %ne3A_16 : vector<512x4096xi1> to vector<512x4096xi32>
    %convert_element_type3A_17 = arith.sitofp %convert_element_type3A : vector<512x4096xi32> to vector<512x4096xf32>
    %convert_element_type3A_18 = arith.truncf %convert_element_type3A_17 : vector<512x4096xf32> to vector<512x4096xbf16>
    %slice3A_19 = vector.extract_strided_slice %get3A_1 {offsets = [0, 4095], sizes = [512, 1], strides = [1, 1]} : vector<512x4096xf32> to vector<512x1xf32>
    %slice3A_20 = vector.extract_strided_slice %get3A_1 {offsets = [0, 0], sizes = [512, 4095], strides = [1, 1]} : vector<512x4096xf32> to vector<512x4095xf32>
    %concatenate3A = tpu.concatenate %slice3A_19, %slice3A_20 in 1 : vector<512x1xf32>, vector<512x4095xf32> -> vector<512x4096xf32>
    %ne3A_21 = arith.cmpf one, %get3A_1, %concatenate3A : vector<512x4096xf32>
    %convert_element_type3A_22 = arith.extui %ne3A_21 : vector<512x4096xi1> to vector<512x4096xi32>
    %convert_element_type3A_23 = arith.sitofp %convert_element_type3A_22 : vector<512x4096xi32> to vector<512x4096xf32>
    %convert_element_type3A_24 = arith.truncf %convert_element_type3A_23 : vector<512x4096xf32> to vector<512x4096xbf16>
    %get3A_25 = arith.constant 0 : index
    %get3A_26 = arith.constant 0 : index
    %get3A_27 = vector.load %arg5[%get3A_25, %get3A_26] : memref<4096x3xbf16, #tpu.memory_space<vmem>>, vector<4096x1xbf16>
    %dot_general3A_28 = arith.constant dense<0.000000e+00> : vector<512x1xf32>
    %dot_general3A_29 = tpu.matmul %convert_element_type3A_18, %get3A_27, %dot_general3A_28 {dimension_numbers = #tpu.dot_dimension_numbers<[1], [0], [0], [1], [0, 0, 1, 1], [], []>, transpose_lhs_hint = false} : vector<512x4096xbf16>, vector<4096x1xbf16>, vector<512x1xf32> -> vector<512x1xf32>
    %squeeze3A_30 = vector.shape_cast %dot_general3A_29 : vector<512x1xf32> to vector<512xf32>
    %get3A_31 = arith.constant 0 : index
    %get3A_32 = arith.constant 1 : index
    %get3A_33 = vector.load %arg5[%get3A_31, %get3A_32] : memref<4096x3xbf16, #tpu.memory_space<vmem>>, vector<4096x2xbf16>
    %dot_general3A_34 = arith.constant dense<0.000000e+00> : vector<512x2xf32>
    %dot_general3A_35 = tpu.matmul %convert_element_type3A_24, %get3A_33, %dot_general3A_34 {dimension_numbers = #tpu.dot_dimension_numbers<[1], [0], [0], [1], [0, 0, 1, 1], [], []>, transpose_lhs_hint = false} : vector<512x4096xbf16>, vector<4096x2xbf16>, vector<512x2xf32> -> vector<512x2xf32>
    %slice3A_36 = vector.extract_strided_slice %dot_general3A_35 {offsets = [0, 0], sizes = [512, 1], strides = [1, 1]} : vector<512x2xf32> to vector<512x1xf32>
    %squeeze3A_37 = vector.shape_cast %slice3A_36 : vector<512x1xf32> to vector<512xf32>
    %slice3A_38 = vector.extract_strided_slice %dot_general3A_35 {offsets = [0, 1], sizes = [512, 1], strides = [1, 1]} : vector<512x2xf32> to vector<512x1xf32>
    %squeeze3A_39 = vector.shape_cast %slice3A_38 : vector<512x1xf32> to vector<512xf32>
    %add3A_40 = arith.addf %squeeze3A_37, %squeeze3A_39 : vector<512xf32>
    %swap3A = arith.constant 0 : index
    %swap3A_41 = arith.constant 0 : index
    %swap3A_42 = vector.load %arg6[%swap3A, %swap3A_41] : memref<8x512xf32, #tpu.memory_space<vmem>>, vector<1x512xf32>
    %swap3A_43 = vector.shape_cast %swap3A_42 : vector<1x512xf32> to vector<512xf32>
    %swap3A_44 = vector.shape_cast %squeeze3A : vector<512xf32> to vector<1x512xf32>
    tpu.vector_store %arg6[%swap3A, %swap3A_41], %swap3A_44 {strides = array<i32>} : memref<8x512xf32, #tpu.memory_space<vmem>>, vector<1x512xf32>,
    %add3A_45 = arith.constant 9.99999997E-7 : f32
    %add3A_46 = vector.broadcast %add3A_45 : f32 to vector<512xf32>
    %add3A_47 = arith.addf %squeeze3A, %add3A_46 : vector<512xf32>
    %div3A = arith.divf %squeeze3A, %add3A_47 : vector<512xf32>
    %div3A_48 = arith.constant 4.096000e+03 : f32
    %div3A_49 = vector.broadcast %div3A_48 : f32 to vector<512xf32>
    %div3A_50 = arith.divf %div3A, %div3A_49 : vector<512xf32>
    %swap3A_51 = arith.constant 1 : index
    %swap3A_52 = arith.constant 0 : index
    %swap3A_53 = vector.load %arg6[%swap3A_51, %swap3A_52] : memref<8x512xf32, #tpu.memory_space<vmem>>, vector<1x512xf32>
    %swap3A_54 = vector.shape_cast %swap3A_53 : vector<1x512xf32> to vector<512xf32>
    %swap3A_55 = vector.shape_cast %div3A_50 : vector<512xf32> to vector<1x512xf32>
    tpu.vector_store %arg6[%swap3A_51, %swap3A_52], %swap3A_55 {strides = array<i32>} : memref<8x512xf32, #tpu.memory_space<vmem>>, vector<1x512xf32>,
    %swap3A_56 = arith.constant 2 : index
    %swap3A_57 = arith.constant 0 : index
    %swap3A_58 = vector.load %arg6[%swap3A_56, %swap3A_57] : memref<8x512xf32, #tpu.memory_space<vmem>>, vector<1x512xf32>
    %swap3A_59 = vector.shape_cast %swap3A_58 : vector<1x512xf32> to vector<512xf32>
    %swap3A_60 = vector.shape_cast %squeeze3A_30 : vector<512xf32> to vector<1x512xf32>
    tpu.vector_store %arg6[%swap3A_56, %swap3A_57], %swap3A_60 {strides = array<i32>} : memref<8x512xf32, #tpu.memory_space<vmem>>, vector<1x512xf32>,
    %div3A_61 = arith.constant 4.096000e+03 : f32
    %div3A_62 = vector.broadcast %div3A_61 : f32 to vector<512xf32>
    %div3A_63 = arith.divf %add3A_40, %div3A_62 : vector<512xf32>
    %swap3A_64 = arith.constant 3 : index
    %swap3A_65 = arith.constant 0 : index
    %swap3A_66 = vector.load %arg6[%swap3A_64, %swap3A_65] : memref<8x512xf32, #tpu.memory_space<vmem>>, vector<1x512xf32>
    %swap3A_67 = vector.shape_cast %swap3A_66 : vector<1x512xf32> to vector<512xf32>
    %swap3A_68 = vector.shape_cast %div3A_63 : vector<512xf32> to vector<1x512xf32>
    tpu.vector_store %arg6[%swap3A_64, %swap3A_65], %swap3A_68 {strides = array<i32>} : memref<8x512xf32, #tpu.memory_space<vmem>>, vector<1x512xf32>,
    %convert_element_type3A_69 = arith.sitofp %argmax3A : vector<512xi32> to vector<512xf32>
    %swap3A_70 = arith.constant 4 : index
    %swap3A_71 = arith.constant 0 : index
    %swap3A_72 = vector.load %arg6[%swap3A_70, %swap3A_71] : memref<8x512xf32, #tpu.memory_space<vmem>>, vector<1x512xf32>
    %swap3A_73 = vector.shape_cast %swap3A_72 : vector<1x512xf32> to vector<512xf32>
    %swap3A_74 = vector.shape_cast %convert_element_type3A_69 : vector<512xf32> to vector<1x512xf32>
    tpu.vector_store %arg6[%swap3A_70, %swap3A_71], %swap3A_74 {strides = array<i32>} : memref<8x512xf32, #tpu.memory_space<vmem>>, vector<1x512xf32>,
    %swap3A_75 = arith.constant 5 : index
    %swap3A_76 = arith.constant 0 : index
    %swap3A_77 = vector.load %arg6[%swap3A_75, %swap3A_76] : memref<8x512xf32, #tpu.memory_space<vmem>>, vector<1x512xf32>
    %swap3A_78 = vector.shape_cast %swap3A_77 : vector<1x512xf32> to vector<512xf32>
    %swap3A_79 = vector.shape_cast %squeeze3A : vector<512xf32> to vector<1x512xf32>
    tpu.vector_store %arg6[%swap3A_75, %swap3A_76], %swap3A_79 {strides = array<i32>} : memref<8x512xf32, #tpu.memory_space<vmem>>, vector<1x512xf32>,
    %swap3A_80 = arith.constant 6 : index
    %swap3A_81 = arith.constant 0 : index
    %swap3A_82 = vector.load %arg6[%swap3A_80, %swap3A_81] : memref<8x512xf32, #tpu.memory_space<vmem>>, vector<1x512xf32>
    %swap3A_83 = vector.shape_cast %swap3A_82 : vector<1x512xf32> to vector<512xf32>
    %swap3A_84 = vector.shape_cast %squeeze3A : vector<512xf32> to vector<1x512xf32>
    tpu.vector_store %arg6[%swap3A_80, %swap3A_81], %swap3A_84 {strides = array<i32>} : memref<8x512xf32, #tpu.memory_space<vmem>>, vector<1x512xf32>,
    %swap3A_85 = arith.constant 7 : index
    %swap3A_86 = arith.constant 0 : index
    %swap3A_87 = vector.load %arg6[%swap3A_85, %swap3A_86] : memref<8x512xf32, #tpu.memory_space<vmem>>, vector<1x512xf32>
    %swap3A_88 = vector.shape_cast %swap3A_87 : vector<1x512xf32> to vector<512xf32>
    %swap3A_89 = vector.shape_cast %squeeze3A : vector<512xf32> to vector<1x512xf32>
    tpu.vector_store %arg6[%swap3A_85, %swap3A_86], %swap3A_89 {strides = array<i32>} : memref<8x512xf32, #tpu.memory_space<vmem>>, vector<1x512xf32>,
    return
  }
  func.func @transform_0(%arg0: i32) -> (i32, i32) {
    %c0_i32 = arith.constant 0 : i32
    %c0_i32_0 = arith.constant 0 : i32
    return %arg0, %c0_i32 : i32, i32
  }
  func.func @transform_1(%arg0: i32) -> (i32, i32) {
    %c0_i32 = arith.constant 0 : i32
    %c0_i32_0 = arith.constant 0 : i32
    %c0_i32_1 = arith.constant 0 : i32
    return %c0_i32, %c0_i32_0 : i32, i32
  }
  func.func @transform_2(%arg0: i32) -> (i32, i32) {
    %c0_i32 = arith.constant 0 : i32
    %c0_i32_0 = arith.constant 0 : i32
    %c0_i32_1 = arith.constant 0 : i32
    return %c0_i32, %c0_i32_0 : i32, i32
  }
  func.func @transform_3(%arg0: i32) -> (i32, i32) {
    %c0_i32 = arith.constant 0 : i32
    %c0_i32_0 = arith.constant 0 : i32
    return %arg0, %c0_i32 : i32, i32
  }
  func.func @transform_4(%arg0: i32) -> (i32, i32) {
    %c0_i32 = arith.constant 0 : i32
    %c0_i32_0 = arith.constant 0 : i32
    %c0_i32_1 = arith.constant 0 : i32
    return %c0_i32, %c0_i32_0 : i32, i32
  }
  func.func @transform_5(%arg0: i32) -> (i32, i32) {
    %c0_i32 = arith.constant 0 : i32
    %c0_i32_0 = arith.constant 0 : i32
    return %c0_i32, %arg0 : i32, i32
  }
}

</mosaic_0001>

<sc_bundles>
// kernel: _run.4.cloned.1.call-start
scs
__scs_entry_jumppad:
0x0: {  	(pc) =	sbr.rel $0x88, $3  }
0x1: {  	(tag) =	ssettag $0x0;
	lr =	simm.s32 $0x1  }
0x2: {  	[smem:$0x3F9C] =	sst lr;
	_ =	strace $0xD0000000  }
0x3: {  	_ = 	snop  }
0x4: {  	_ = 	snop  }
0x5: {  	_ = 	snop  }
0x6: {  	_ = 	snop  }
0x7: {  	_ = 	snop  }
__scs_overlays_trampoline_lowered:
0x8: {  	[smem:$0x3FAB] =	sst s0  }
0x9: {  	[smem:$0x3FAC] =	sst s1  }
0xa: {  	[smem:$0x3FAD] =	sst s2  }
0xb: {  	[smem:$0x3FAE] =	sst s3  }
0xc: {  	[smem:$0x3FAF] =	sst s4  }
0xd: {  	[smem:$0x3FB0] =	sst s5  }
0xe: {  	[smem:$0x3FB1] =	sst s6  }
0xf: {  	[smem:$0x3FB2] =	sst s7  }
0x10: {  	[smem:$0x3FB3] =	sst s8  }
0x11: {  	[smem:$0x3FB4] =	sst s9;
	s0 =	simm.s32 @!p0 $0x0  }
0x12: {  	s1 =	sld [smem:$0x3F9A];
	s0 =	simm.s32 @p0 $0x1  }
0x13: {  	[smem:$0x3FB5] =	sst s0;
	s0 =	simm.s32 @!p1 $0x0  }
0x14: {  	s2 =	sld [smem:$0x3F99];
	s0 =	simm.s32 @p1 $0x1  }
0x15: {  	[smem:$0x3FB6] =	sst s0;
	s0 =	simm.s32 @!p2 $0x0  }
0x16: {  	s3 =	sld [smem:$0x3FDB];
	s0 =	simm.s32 @p2 $0x1  }
0x17: {  	s4 =	simm.s32 $0x1BF5;
	[smem:$0x3FB8] =	sst s0  }
0x18: {  	s0 =	sld [smem:$0x3F9B];
	_ =	swait.ge [sflag:s4], $0x0  }
0x19: {  	s7 =	sld [smem:$0x3F9C]  }
0x1a: {  	s8 =	sadd.s32 $0xFFFFE003, lr  }
0x1b: {  	s9 =	sadd.s32 $0xFFFFFEF7, lr;
	s5 =	simm.s32 $0xFFFFFFFF;
	p2 =	slt.u32 s8, $0xFFFFF086  }
0x1c: {  	p1 =	slt.u32 s9, $0xF7A;
	s5 =	simm.s32 @!p2 $0x0  }
0x1d: {  	s5 =	simm.s32 @p1 $0x1;
	p0 =	seq.s32 s7, s2  }
0x1e: {  	s7 =	smul.u32 @!p0 $0xF7A, s2;
	p2 =	seq.s32 @!p0 s5, $0x0  }
0x1f: {  	s9 =	smul.u32 $0xF7A, s1;
	s8 =	simm.s32 @!p0 $0x1BF5;
	p2 =	por !p2, p0  }
0x20: {  	[sflag:s8] =	ssyncset.s32 @!p0 $0xFFFFF086;
	s6 =	sadd.s32 @!p0 s3, s7;
	s7 =	simm.s32 @!p0 $0x108  }
0x21: {  	s3 =	sadd.s32 s3, s9;
	s6 =	sadd.s32 @!p0 $0x88, s6;
	s7 =	simm.s32 @p2 $0x1082  }
0x22: {  	[simem:s7], [sflag:s8] =	dma.local @!p0 [hbm:s6], $0xF7A  }
0x23: {  	s9 =	sor.u32 $0xD0000000, s2;
	s6 =	simm.s32 $0x108;
	_ =	swait.ge @!p0 [sflag:s8], $0x0  }
0x24: {  	s3 =	sadd.s32 $0x88, s3;
	s6 =	simm.s32 @!p1 $0x1082;
	[sflag:s4] =	ssyncset.s32 $0xFFFFF086  }
0x25: {  	[simem:s6], [sflag:s4] =	dma.local [hbm:s3], $0xF7A  }
0x26: {  	[smem:$0x3F9C] =	sst s1;
	(tag) =	ssettag s2;
	_ =	strace s9  }
0x27: {  	s1 =	sld [smem:$0x3FAC]  }
0x28: {  	s2 =	sld [smem:$0x3FAD]  }
0x29: {  	s4 =	sld [smem:$0x3FAF]  }
0x2a: {  	p0 =	seq.s32 s5, $0x0;
	s5 =	sld [smem:$0x3FB0]  }
0x2b: {  	s6 =	sld [smem:$0x3FB1]  }
0x2c: {  	s7 =	sld [smem:$0x3FB2]  }
0x2d: {  	s3 =	simm.s32 $0x108;
	s8 =	sld [smem:$0x3FB3]  }
0x2e: {  	s3 =	simm.s32 @!p0 $0x1082;
	s9 =	sld [smem:$0x3FB4]  }
0x2f: {  	lr =	sadd.s32 s0, s3;
	s0 =	sld [smem:$0x3FAB]  }
0x30: {  	s3 =	sld [smem:$0x3FAE]  }
0x31: {  	[smem:$0x3FB7] =	sst s10  }
0x32: {  	s10 =	sld [smem:$0x3FB5];
	_ =	sdelay $0x3  }
0x33: {  	p0 =	seq.s32 s10, $0x1;
	s10 =	sld [smem:$0x3FB7];
	_ =	sdelay $0x3  }
0x34: {  	[smem:$0x3FB7] =	sst s10  }
0x35: {  	s10 =	sld [smem:$0x3FB6];
	_ =	sdelay $0x3  }
0x36: {  	p1 =	seq.s32 s10, $0x1;
	s10 =	sld [smem:$0x3FB7];
	_ =	sdelay $0x3  }
0x37: {  	[smem:$0x3FB7] =	sst s10  }
0x38: {  	s10 =	sld [smem:$0x3FB8]  }
0x39: {  	_ = 	snop;
	(pc) =	sbr.ind lr, $3  }
0x3a: {  	_ = 	snop  }
0x3b: {  	_ = 	snop  }
0x3c: {  	p2 =	seq.s32 s10, $0x1;
	s10 =	sld [smem:$0x3FB7]  }
0x3d: {  	_ =	shalt  }
0x3e: {  	_ =	shalt  }
0x3f: {  	_ =	shalt  }
0x40: {  	_ =	shalt  }
0x41: {  	_ =	shalt  }
0x42: {  	_ =	shalt  }
0x43: {  	_ =	shalt  }
0x44: {  	_ =	shalt  }
0x45: {  	_ =	shalt  }
0x46: {  	_ =	shalt  }
0x47: {  	_ =	shalt  }
0x48: {  	_ =	shalt  }
0x49: {  	_ =	shalt  }
0x4a: {  	_ =	shalt  }
0x4b: {  	_ =	shalt  }
0x4c: {  	_ =	shalt  }
0x4d: {  	_ =	shalt  }
0x4e: {  	_ =	shalt  }
0x4f: {  	_ =	shalt  }
0x50: {  	_ =	shalt  }
0x51: {  	_ =	shalt  }
0x52: {  	_ =	shalt  }
0x53: {  	_ =	shalt  }
0x54: {  	_ =	shalt  }
0x55: {  	_ =	shalt  }
0x56: {  	_ =	shalt  }
0x57: {  	_ =	shalt  }
0x58: {  	_ =	shalt  }
0x59: {  	_ =	shalt  }
0x5a: {  	_ =	shalt  }
0x5b: {  	_ =	shalt  }
0x5c: {  	_ =	shalt  }
0x5d: {  	_ =	shalt  }
0x5e: {  	_ =	shalt  }
0x5f: {  	_ =	shalt  }
0x60: {  	_ =	shalt  }
0x61: {  	_ =	shalt  }
0x62: {  	_ =	shalt  }
0x63: {  	_ =	shalt  }
0x64: {  	_ =	shalt  }
0x65: {  	_ =	shalt  }
0x66: {  	_ =	shalt  }
0x67: {  	_ =	shalt  }
0x68: {  	_ =	shalt  }
0x69: {  	_ =	shalt  }
0x6a: {  	_ =	shalt  }
0x6b: {  	_ =	shalt  }
0x6c: {  	_ =	shalt  }
0x6d: {  	_ =	shalt  }
0x6e: {  	_ =	shalt  }
0x6f: {  	_ =	shalt  }
0x70: {  	_ =	shalt  }
0x71: {  	_ =	shalt  }
0x72: {  	_ =	shalt  }
0x73: {  	_ =	shalt  }
0x74: {  	_ =	shalt  }
0x75: {  	_ =	shalt  }
0x76: {  	_ =	shalt  }
0x77: {  	_ =	shalt  }
0x78: {  	_ =	shalt  }
0x79: {  	_ =	shalt  }
0x7a: {  	_ =	shalt  }
0x7b: {  	_ =	shalt  }
0x7c: {  	_ =	shalt  }
0x7d: {  	_ =	shalt  }
0x7e: {  	_ =	shalt  }
0x7f: {  	_ =	shalt  }
0x80: {  	_ =	shalt  }
0x81: {  	_ =	shalt  }
0x82: {  	_ =	shalt  }
0x83: {  	_ =	shalt  }
0x84: {  	_ =	shalt  }
0x85: {  	_ =	shalt  }
0x86: {  	_ =	shalt  }
0x87: {  	_ =	shalt  }
.Lfunc_end0:
.L_simem_size_0:
called_computation_lowered:
.L_overlay_start_0:
0x88: {  	s2 =	sld [smem:$0x3FD9]  }
0x89: {  	s3 =	sld [smem:$0x3FFE];
	_ =	sdelay $0x1  }
0x8a: {  	s1 =	srdreg.scid  }
0x8b: {  	s0 =	sand.u32 $0x1, s1  }
0x8c: {  	s17 =	sshll.u32 s0, $0xA;
	s2 =	sadd.s32 s3, s2  }
0x8d: {  	s2 =	sadd.s32 s2, s17  }
0x8e: {  	[smem:$0x3FC3] =	sst s2  }
0x8f: {  	_ = 	snop  }
0x90: {  	s2 =	sld [smem:$0x3FD0];
	(tm) =	ssettm $0x1  }
0x91: {  	s18 =	sld [smem:$0x3FFB];
	_ =	sdelay $0x3  }
0x92: {  	_ =	strace s18  }
0x93: {  	s3 =	sld [smem:$0x3FFC];
	_ =	sdelay $0x3  }
0x94: {  	_ =	strace s3  }
0x95: {  	s3 =	sld [smem:$0x3FFD];
	_ =	sdelay $0x3  }
0x96: {  	_ =	strace s3  }
0x97: {  	_ =	strace $0x8FFFFFFF  }
0x98: {  	s19 =	sld [smem:$0x3FDB];
	_ =	sdelay $0x1  }
0x99: {  	s4 =	simm.s32 $_scs_section_size  }
0x9a: {  	s5 =	simm.s32 $_size__tile_overlayer_lowered;
	s6 =	simm.s32 $_tile_overlayer_lowered  }
0x9b: {  	s22 =	simm.s32 $0x1BFF;
	s21 =	sshll.u32 s6, $0x1;
	s3 =	sadd.s32 s4, s19  }
0x9c: {  	s7 =	simm.s32 $0x0;
	s20 =	sshll.u32 s5, $0x1;
	s5 =	sadd.s32 s21, s3  }
0x9d: {  	[timem:s7], [sflag:s22] =	dma.local [hbm:s5], s20  }
0x9e: {  	_ =	swait.ge [sflag:s22], s20  }
0x9f: {  	s4 =	ssub.s32 $0x0, s20;
	[sflag:s22] =	ssyncset.done $0x0  }
0xa0: {  	[sflag:s22] =	ssyncadd.s32 s4;
	_ =	sdelay $0x1  }
0xa1: {  	s23 =	simm.s32 $0x1B8B  }
0xa2: {  	_ =	swait.ge [sflag:s23], $0x1  }
0xa3: {  	[sflag:s23] =	ssyncset.done $0x0  }
0xa4: {  	s25 =	simm.s32 $0x1B8E;
	s24 =	sld [smem:$0x3FFE];
	[sflag:s23] =	ssyncadd.s32 $0xFFFFFFFF  }
0xa5: {  	s26 =	simm.s32 $execute0_lowered;
	[smem:$0x3FD2] =	sst s25  }
0xa6: {  	s5 =	sshll.u32 s26, $0x1;
	_ =	strace $0x80000046;
	[dreg:$0x1] =	wrdreg $0xFFFFFFFF  }
0xa7: {  	s28 =	simm.s32 $_size_execute0_lowered;
	s3 =	sadd.s32 s3, s5;
	[dreg:$0x0] =	wrdreg $0x0  }
0xa8: {  	s5 =	sshll.u32 s28, $0x1;
	[dreg:$0x2] =	wrdreg s3  }
0xa9: {  	[dreg:$0x3] =	wrdreg s5  }
0xaa: {  	[dreg:$0x4] =	wrdreg $0xC0  }
0xab: {  	_ =	task [dreg:s7], $0x5FFFF  }
0xac: {  	[dreg:$0x1] =	wrdreg $0xFFFFFFFF  }
0xad: {  	[dreg:$0x0] =	wrdreg $0x60  }
0xae: {  	[dreg:$0x2] =	wrdreg s24  }
0xaf: {  	[dreg:$0x3] =	wrdreg s2  }
0xb0: {  	[dreg:$0x4] =	wrdreg $0x9  }
0xb1: {  	_ =	task.clear_ibuf [dreg:s7], $0x5FFFF;
	_ =	strace $0x90000046  }
0xb2: {  	s29 =	simm.s32 $0x9;
	_ =	strace $0x80000048  }
0xb3: {  	_ =	swait.ge [sflag:s29], $0x1  }
0xb4: {  	[sflag:s29] =	ssyncadd.s32 $0xFFFFFFFF  }
0xb5: {  	_ =	strace $0x90000048  }
0xb6: {  	_ =	sfence  }
0xb7: {  	s30 =	sld [smem:$0x0];
	_ =	sdelay $0x2  }
0xb8: {  	s31 =	sshll.u32 s1, $0xD;
	s1 =	sshrl.u32 s1, $0x2  }
0xb9: {  	s3 =	sand.u32 $0x4000, s31;
	s1 =	sadd.s32 s1, s30  }
0xba: {  	s0 =	sor.u32 s3, s0;
	s1 =	sshll.u32 s1, $0x11  }
0xbb: {  	s0 =	sor.u32 s1, s0  }
0xbc: {  	s0 =	sadd.s32 $0x8F2B, s0  }
0xbd: {  	[sflag:s0] =	ssyncadd.remote.s32 $0x1  }
0xbe: {  	_ =	sfence.sel $0xFFFF  }
0xbf: {  	[dreg:$0x0] =	wrdreg $0xFFFFFFFF;
	(pc) =	sbr.abs _section_cstart, $3  }
0xc0: {  	[dreg:$0x1] =	wrdreg $0xFFFFFFFF  }
0xc1: {  	_ =	task.clear_ibuf [dreg:s7], $0x2FFFF;
	_ =	strace $0x9FFFFFFF  }
0xc2: {  	(tm) =	ssettm $0x7FFFFFFF  }
0xc3: {  	_ =	shalt  }
tec
execute0_lowered:
.L_overlay_start_1:
0x0: {  	(tag) =	ssettag $0x1  }
0x1: {  	s3 =	rddreg [dreg:$0x0]  }
0x2: {  	s4 =	rddreg [dreg:$0x1];
	s2 =	srdreg.scid  }
0x3: {  	s0 =	rddreg [dreg:$0x2];
	s1 =	stileid.u32;
	s8 =	simm.s32 $0x400  }
0x4: {  	s9 =	simm.s32 $0x1;
	s5 =	sand.u32 $0x1, s2;
	s2 =	simm.s32 $0x0  }
0x5: {  	s6 =	sshll.u32 s1, $0x9;
	s7 =	sshll.u32 s5, $0x8;
	[smem:$0x7FF] =	sst s2  }
0x6: {  	s5 =	ssub.s32 $0x2, s5;
	s6 =	sor.u32 s7, s6;
	_ =	strace $0x80000047  }
0x7: {  	s31 =	sshrl.u32 s5, $0x1;
	s7 =	sadd.s32 s6, s3;
	s6 =	sshrl.u32 s6, $0x3  }
0x8: {  	s5 =	ssub.s32 s5, s31;
	s3 =	sadd.s32 $0x800, s7;
	s4 =	sadd.s32 s4, s6  }
0x9: {  	s5 =	smax.u32 s5, $0x1;
	s6 =	sadd.s32 $0x880, s7;
	s7 =	simm.s32 $0x800  }
.LBB2_1:
0xa: {  	[tilespmem:s2], [sflag:$0x1] =	stream.strided.gather [hbm4b:s3+s7], $0x0, s8, s7, $0x38;
	[tilespmem:$0x900] =	vst v63  }
0xb: {  	_ = 	snop  }
0xc: {  	[tilespmem:s2], [sflag:$0x1] =	stream.linear.gather [hbm4b:s3+s2], $0x280, $0x38;
	[tilespmem:$0x900] =	vst v63  }
0xd: {  	_ = 	snop  }
0xe: {  	[tilespmem:s8], [sflag:$0x1] =	stream.linear.gather [hbm4b:s6+s2], $0x280, $0x38;
	[tilespmem:$0x900] =	vst v63  }
0xf: {  	_ =	swait.ge [sflag:s9], $0x500  }
0x10: {  	[sflag:s9] =	ssyncset.done $0x0  }
0x11: {  	[sflag:s9] =	ssyncadd.s32 $0xFFFFFB00  }
0x12: {  	v0 =	vld [tilespmem:$0x200]  }
0x13: {  	v1 =	vld [tilespmem:$0x0]  }
0x14: {  	v2 =	vld [tilespmem:$0x80]  }
0x15: {  	v3 =	vld [tilespmem:$0x100]  }
0x16: {  	v4 =	vld [tilespmem:$0x180]  }
0x17: {  	v5 =	vld [tilespmem:$0x210]  }
0x18: {  	v6 =	vld [tilespmem:$0x10]  }
0x19: {  	v7 =	vld [tilespmem:$0x90]  }
0x1a: {  	v8 =	vld [tilespmem:$0x110]  }
0x1b: {  	v9 =	vld [tilespmem:$0x190]  }
0x1c: {  	v10 =	vld [tilespmem:$0x220]  }
0x1d: {  	v11 =	vld [tilespmem:$0x20]  }
0x1e: {  	v12 =	vld [tilespmem:$0xA0]  }
0x1f: {  	v13 =	vld [tilespmem:$0x120]  }
0x20: {  	v14 =	vld [tilespmem:$0x1A0]  }
0x21: {  	v15 =	vld [tilespmem:$0x230]  }
0x22: {  	v16 =	vld [tilespmem:$0x30]  }
0x23: {  	v17 =	vld [tilespmem:$0xB0]  }
0x24: {  	v18 =	vld [tilespmem:$0x130]  }
0x25: {  	v19 =	vld [tilespmem:$0x1B0]  }
0x26: {  	v20 =	vld [tilespmem:$0x240]  }
0x27: {  	v21 =	vld [tilespmem:$0x40]  }
0x28: {  	v22 =	vld [tilespmem:$0xC0]  }
0x29: {  	v23 =	vld [tilespmem:$0x140]  }
0x2a: {  	v24 =	vld [tilespmem:$0x1C0]  }
0x2b: {  	v25 =	vld [tilespmem:$0x250]  }
0x2c: {  	v26 =	vld [tilespmem:$0x50]  }
0x2d: {  	v27 =	vld [tilespmem:$0xD0]  }
0x2e: {  	v28 =	vld [tilespmem:$0x150]  }
0x2f: {  	v29 =	vld [tilespmem:$0x1D0]  }
0x30: {  	v30 =	vld [tilespmem:$0x260]  }
0x31: {  	v31 =	vld [tilespmem:$0x60]  }
0x32: {  	v32 =	vld [tilespmem:$0xE0]  }
0x33: {  	v33 =	vld [tilespmem:$0x160]  }
0x34: {  	v34 =	vld [tilespmem:$0x1E0]  }
0x35: {  	v35 =	vld [tilespmem:$0x270]  }
0x36: {  	v36 =	vld [tilespmem:$0x70]  }
0x37: {  	v37 =	vld [tilespmem:$0xF0]  }
0x38: {  	v38 =	vld [tilespmem:$0x170]  }
0x39: {  	v39 =	vld [tilespmem:$0x1F0]  }
0x3a: {  	v40 =	vld [tilespmem:$0x600]  }
0x3b: {  	v41 =	vld [tilespmem:$0x400]  }
0x3c: {  	v42 =	vld [tilespmem:$0x480]  }
0x3d: {  	v43 =	vld [tilespmem:$0x500]  }
0x3e: {  	v44 =	vld [tilespmem:$0x580]  }
0x3f: {  	v45 =	vld [tilespmem:$0x610]  }
0x40: {  	v46 =	vld [tilespmem:$0x410]  }
0x41: {  	v47 =	vld [tilespmem:$0x490]  }
0x42: {  	v48 =	vld [tilespmem:$0x510]  }
0x43: {  	v49 =	vld [tilespmem:$0x590]  }
0x44: {  	v50 =	vld [tilespmem:$0x620]  }
0x45: {  	v51 =	vld [tilespmem:$0x420]  }
0x46: {  	v52 =	vld [tilespmem:$0x430];
	vm0 =	veq.f32 v0, $1.000000000e+00;
	vm6 =	veq.f32 v0, $2.000000000e+00  }
0x47: {  	v53 =	vld [tilespmem:$0x4B0];
	vm7 =	veq.f32 v5, $1.000000000e+00;
	vm1 =	veq.f32 v0, $3.000000000e+00;
	vm8 =	veq.f32 v5, $2.000000000e+00  }
0x48: {  	v55 =	vld [tilespmem:$0x530];
	vm9 =	veq.f32 v10, $1.000000000e+00;
	vm10 =	veq.f32 v5, $3.000000000e+00;
	vm11 =	veq.f32 v10, $2.000000000e+00  }
0x49: {  	v57 =	vld [tilespmem:$0x640];
	vm12 =	veq.f32 v15, $1.000000000e+00;
	vm13 =	veq.f32 v10, $3.000000000e+00;
	vm14 =	veq.f32 v15, $2.000000000e+00  }
0x4a: {  	v58 =	vld [tilespmem:$0x440];
	vm15 =	veq.f32 v20, $1.000000000e+00;
	vm4 =	veq.f32 v15, $3.000000000e+00;
	vm5 =	veq.f32 v20, $2.000000000e+00  }
0x4b: {  	v60 =	vld [tilespmem:$0x4C0];
	v1 =	vsel vm0, v2, v1;
	v63 =	vsel vm7, v7, v6;
	v12 =	vsel vm9, v12, v11  }
0x4c: {  	v61 =	vld [tilespmem:$0x540];
	v54 =	vsel vm12, v17, v16;
	v56 =	vsel vm15, v22, v21;
	vm7 =	veq.f32 v20, $3.000000000e+00  }
0x4d: {  	v2 =	vld [tilespmem:$0x4A0];
	vm9 =	veq.f32 v30, $1.000000000e+00;
	vm12 =	veq.f32 v35, $1.000000000e+00;
	vm15 =	veq.f32 v40, $1.000000000e+00  }
0x4e: {  	v6 =	vld [tilespmem:$0x5A0];
	v1 =	vsel vm6, v3, v1;
	v0 =	vsel vm8, v8, v63;
	v5 =	vsel vm11, v13, v12  }
0x4f: {  	v11 =	vld [tilespmem:$0x5B0];
	v12 =	vsel vm5, v23, v56;
	vm6 =	veq.f32 v25, $1.000000000e+00;
	vm8 =	veq.f32 v25, $2.000000000e+00  }
0x50: {  	v3 =	vld [tilespmem:$0x520];
	v62 =	vsel vm9, v32, v31;
	vm11 =	veq.f32 v30, $2.000000000e+00;
	v32 =	vsel vm12, v37, v36  }
0x51: {  	v63 =	vld [tilespmem:$0x5C0];
	v37 =	vsel vm15, v42, v41;
	vm5 =	veq.f32 v40, $2.000000000e+00;
	vm9 =	veq.f32 v50, $1.000000000e+00  }
0x52: {  	v31 =	vld [tilespmem:$0x650];
	vm15 =	veq.f32 v57, $1.000000000e+00;
	v1 =	vsel vm1, v4, v1;
	v0 =	vsel vm10, v9, v0  }
0x53: {  	v36 =	vld [tilespmem:$0x4D0];
	v5 =	vsel vm13, v14, v5;
	v9 =	vsel vm14, v18, v54;
	v59 =	vsel vm6, v27, v26  }
0x54: {  	v41 =	vld [tilespmem:$0x5D0];
	v12 =	vsel vm7, v24, v12;
	vm10 =	veq.f32 v25, $3.000000000e+00;
	v18 =	vsel vm11, v33, v62  }
0x55: {  	v56 =	vld [tilespmem:$0x4F0];
	vm13 =	veq.f32 v30, $3.000000000e+00;
	vm14 =	veq.f32 v35, $2.000000000e+00;
	v24 =	vsel vm5, v43, v37  }
0x56: {  	v4 =	vld [tilespmem:$0x630];
	vm6 =	veq.f32 v45, $1.000000000e+00;
	vm7 =	veq.f32 v40, $3.000000000e+00;
	vm11 =	veq.f32 v50, $2.000000000e+00  }
0x57: {  	v33 =	vld [tilespmem:$0x450];
	v54 =	vsel vm15, v60, v58;
	vm5 =	veq.f32 v57, $2.000000000e+00;
	v9 =	vsel vm4, v19, v9  }
0x58: {  	v43 =	vld [tilespmem:$0x660];
	v15 =	vsel vm8, v28, v59;
	v18 =	vsel vm13, v34, v18;
	v21 =	vsel vm14, v38, v32;
	[tilespmem:$0x800] =	vst v1  }
0x59: {  	v58 =	vld [tilespmem:$0x570];
	vm4 =	veq.f32 v35, $3.000000000e+00;
	v42 =	vsel vm6, v47, v46;
	vm8 =	veq.f32 v45, $2.000000000e+00;
	[tilespmem:$0x810] =	vst v0  }
0x5a: {  	v38 =	vld [tilespmem:$0x550];
	v46 =	vsel vm7, v44, v24;
	[tilespmem:$0x820] =	vst v5;
	vm13 =	veq.f32 v50, $3.000000000e+00;
	vm7 =	veq.f32 v57, $3.000000000e+00  }
0x5b: {  	v47 =	vld [tilespmem:$0x460];
	[tilespmem:$0x840] =	vst v12;
	v15 =	vsel vm10, v29, v15;
	v1 =	vsel vm8, v48, v42;
	vm10 =	veq.f32 v45, $3.000000000e+00  }
0x5c: {  	v21 =	vsel vm4, v39, v21;
	v48 =	vld [tilespmem:$0x4E0];
	[tilespmem:$0x830] =	vst v9;
	v2 =	vsel vm9, v2, v51;
	v1 =	vsel vm10, v49, v1  }
0x5d: {  	[tilespmem:$0x860] =	vst v18;
	v49 =	vld [tilespmem:$0x560];
	v2 =	vsel vm11, v3, v2;
	vm6 =	veq.f32 v31, $1.000000000e+00;
	vm12 =	veq.f32 v4, $1.000000000e+00  }
0x5e: {  	[tilespmem:$0x880] =	vst v46;
	vm8 =	veq.f32 v31, $2.000000000e+00;
	vm14 =	veq.f32 v4, $2.000000000e+00;
	v7 =	vsel vm12, v53, v52;
	v53 =	vld [tilespmem:$0x670]  }
0x5f: {  	[tilespmem:$0x850] =	vst v15;
	vm10 =	veq.f32 v31, $3.000000000e+00;
	v2 =	vsel vm13, v6, v2;
	v52 =	vsel vm14, v55, v7;
	v55 =	vld [tilespmem:$0x470]  }
0x60: {  	v51 =	vld [tilespmem:$0x5E0];
	[tilespmem:$0x870] =	vst v21;
	vm4 =	veq.f32 v4, $3.000000000e+00;
	v4 =	vsel vm5, v61, v54;
	v57 =	vsel vm6, v36, v33  }
0x61: {  	v60 =	vld [tilespmem:$0x5F0];
	[tilespmem:$0x890] =	vst v1;
	vm9 =	veq.f32 v43, $1.000000000e+00;
	vm11 =	veq.f32 v43, $2.000000000e+00;
	vm13 =	veq.f32 v43, $3.000000000e+00  }
0x62: {  	v59 =	vsel vm7, v63, v4;
	v0 =	vsel vm8, v38, v57;
	[tilespmem:$0x8A0] =	vst v2;
	v61 =	vsel vm9, v48, v47  }
0x63: {  	v0 =	vsel vm10, v41, v0;
	[tilespmem:$0x8C0] =	vst v59;
	v6 =	vsel vm4, v11, v52;
	vm12 =	veq.f32 v53, $1.000000000e+00  }
0x64: {  	v2 =	vsel vm11, v49, v61;
	[tilespmem:$0x8D0] =	vst v0;
	vm14 =	veq.f32 v53, $2.000000000e+00;
	v62 =	vsel vm12, v56, v55  }
0x65: {  	[tilespmem:$0x8B0] =	vst v6;
	v2 =	vsel vm13, v51, v2;
	vm15 =	veq.f32 v53, $3.000000000e+00;
	v63 =	vsel vm14, v58, v62  }
0x66: {  	p0 =	sne.s32 s5, $0x1;
	[tilespmem:$0x8E0] =	vst v2;
	v0 =	vsel vm15, v60, v63  }
.Ltmp0:
0x67: {  	[tilespmem:$0x8F0] =	vst v0;
	(pc) =	sbr.rel @p0 .LBB2_1-.Ltmp0, $4  }
0x68: {  	[hbm4b:s4+s2] =	stream.linear.scatter [tilespmem:s7], [sflag:$0x1], $0x100, $0x38;
	[tilespmem:$0x900] =	vst v63  }
0x69: {  	_ =	swait.ge [sflag:s9], $0x100  }
0x6a: {  	[sflag:s9] =	ssyncset.done $0x0  }
0x6b: {  	s5 =	sadd.s32 $0xFFFFFFFF, s5;
	[sflag:s9] =	ssyncadd.s32 $0xFFFFFF00  }
0x6c: {  	_ =	sfence.sel $0x180000  }
0x6d: {  	[bflag:$0x0] =	sbarrier.arrive $0xFFFF  }
0x6e: {  	p0 =	sne.s32 s1, $0x0;
	_ =	strace $0x90000047  }
0x6f: {  	s0 =	sadd.s32 @!p0 $0x100000, s0;
	[bflag:$0x2] =	sbarrier.arrive $0xFFFF  }
0x70: {  	[sflag:s0] =	ssyncadd.tile.s32 @!p0 $0x1;
	_ =	shalt  }
.Lfunc_end2:
_tile_overlayer_lowered:
.L_overlay_start_2:
0x71: {  	(tag) =	ssettag $0x2  }
0x72: {  	s0 =	rddreg [dreg:$0x0];
	s2 =	stileid.u32  }
0x73: {  	s1 =	rddreg [dreg:$0x1];
	p0 =	sne.s32 s2, $0x0  }
0x74: {  	s3 =	rddreg [dreg:$0x2];
	[bflag:$0x3] =	sbarrier.arrive $0xFFFF;
	s2 =	simm.s32 @!p0 $0x1C01  }
0x75: {  	[timem:s3], [sflag:s2] =	dma.local @!p0 [hbm:s0], s1  }
0x76: {  	s0 =	simm.s32 @!p0 $0x1  }
0x77: {  	_ =	swait.ge @!p0 [sflag:s0], s1  }
0x78: {  	s1 =	ssub.s32 @!p0 $0x0, s1;
	[sflag:s0] =	ssyncset.done @!p0 $0x0  }
0x79: {  	[sflag:s0] =	ssyncadd.s32 @!p0 s1  }
0x7a: {  	[bflag:$0x3] =	sbarrier.arrive $0xFFFF  }
0x7b: {  	_ =	shalt  }

</sc_bundles>
